<compile_context>
chip_gen: v7x
topology: tpu7x:2x2x1
jax: 0.10.2.dev20260603
libtpu: 0.0.44.dev20260713+nightly
codegen_flags: <defaults>
</compile_context>

<pallas_src>
import functools

import jax
import jax.numpy as jnp
from jax import lax
from jax.experimental import pallas as pl
from jax.experimental.pallas import tpu as pltpu
from jax.experimental.pallas import tpu_sc as plsc

B, H, W = 64, 512, 512
HW = H * W
D = 2
P = 4096
ROWS = D * B
RP = 2 * P
NC, NS = 2, 16
NW = NC * NS
RPT = ROWS // NW
L = 16
CHUNK = 2048
FIRE = RP // CHUNK


def _sc_body(xf, bidx, didx, out,
             bi0, bi1, di0, di1, gi0, gi1, va0, va1,
             sem_idx, sem_g0, sem_g1, sem_out):
    cid = lax.axis_index("c")
    sid = lax.axis_index("s")
    wid = sid * NC + cid

    bi = (bi0, bi1)
    di = (di0, di1)
    gi = (gi0, gi1)
    va = (va0, va1)

    def start_idx(j):
        r = wid * RPT + j
        pltpu.async_copy(bidx.at[r], bi[j % 2], sem_idx)
        pltpu.async_copy(didx.at[r], di[j % 2], sem_idx)

    def wait_idx(j):
        pltpu.make_async_copy(bidx.at[0], bi[j % 2], sem_idx).wait()
        pltpu.make_async_copy(didx.at[0], di[j % 2], sem_idx).wait()

    def reorder_fire(j, off):
        bi_v, di_v, gi_v, va_v = bi[j % 2], di[j % 2], gi[j % 2], va[j % 2]
        sem = sem_g0 if j % 2 == 0 else sem_g1
        ipc = CHUNK // 32
        for k in range(FIRE):
            def body(i, carry):
                bpos = lax.shift_right_logical(i, 3) * 256 + (i & 7) * L
                gi_v[pl.ds(bpos, L)] = bi_v[pl.ds(i * L, L)] + off
                gi_v[pl.ds(bpos + 128, L)] = di_v[pl.ds(i * L, L)] + off
                return carry
            lax.fori_loop(k * ipc, (k + 1) * ipc, body, 0)
            o = k * CHUNK
            pltpu.async_copy(
                xf.at[gi_v.at[pl.ds(o, CHUNK)]],
                va_v.at[pl.ds(o, CHUNK)], sem)

    def drain_gather(j):
        gi_v, va_v = gi[j % 2], va[j % 2]
        sem = sem_g0 if j % 2 == 0 else sem_g1
        for k in range(FIRE):
            o = k * CHUNK
            pltpu.make_async_copy(
                xf.at[gi_v.at[pl.ds(o, CHUNK)]],
                va_v.at[pl.ds(o, CHUNK)], sem).wait()

    def start_out(j):
        r = wid * RPT + j
        pltpu.async_copy(va[j % 2], out.at[pl.ds(r * RP, RP)], sem_out)

    def wait_out(j):
        r = wid * RPT + j
        pltpu.make_async_copy(va[j % 2], out.at[pl.ds(r * RP, RP)], sem_out).wait()

    def row_off(j):
        return lax.rem(wid * RPT + j, B) * HW

    start_idx(0)
    wait_idx(0)
    start_idx(1)
    reorder_fire(0, row_off(0))
    for j in range(1, RPT):
        wait_idx(j)
        if j + 1 < RPT:
            start_idx(j + 1)
        if j >= 2:
            wait_out(j - 2)
        reorder_fire(j, row_off(j))
        drain_gather(j - 1)
        start_out(j - 1)
    drain_gather(RPT - 1)
    wait_out(RPT - 2)
    start_out(RPT - 1)
    wait_out(RPT - 1)


_gather_rows = functools.partial(
    pl.kernel,
    out_type=jax.ShapeDtypeStruct((ROWS * RP,), jnp.float32),
    mesh=plsc.VectorSubcoreMesh(core_axis_name="c", subcore_axis_name="s"),
    compiler_params=pltpu.CompilerParams(needs_layout_passes=False),
    scratch_types=[
        pltpu.VMEM((P,), jnp.int32),
        pltpu.VMEM((P,), jnp.int32),
        pltpu.VMEM((P,), jnp.int32),
        pltpu.VMEM((P,), jnp.int32),
        pltpu.VMEM((RP,), jnp.int32),
        pltpu.VMEM((RP,), jnp.int32),
        pltpu.VMEM((RP,), jnp.float32),
        pltpu.VMEM((RP,), jnp.float32),
        pltpu.SemaphoreType.DMA,
        pltpu.SemaphoreType.DMA,
        pltpu.SemaphoreType.DMA,
        pltpu.SemaphoreType.DMA,
    ],
)(_sc_body)


@jax.jit
def kernel(X, birth_idx, death_idx):
    xf = X.reshape(-1)
    bidx = birth_idx.astype(jnp.int32).reshape(ROWS, P)
    didx = death_idx.astype(jnp.int32).reshape(ROWS, P)
    out = _gather_rows(xf, bidx, didx)
    out5 = out.reshape(D, B, P // 128, 2, 128)
    return jnp.transpose(out5, (0, 1, 2, 4, 3)).reshape(D, B, P, 2)

# --- scband reference (transcript-rebuilt; emitter-appended) ---
"""Pipeline reference for scband-differentiable-cubical-layer-85856396247239 (READ-ONLY COPY).

The authoritative reference and input builder live on the scoring server;
editing this copy changes nothing except your own understanding.
"""

import jax, jax.numpy as jnp
import numpy as np

# Shapes: batch of 64 scalar fields of size 512x512, 2 homology dimensions (H0, H1),
# 4096 finite persistence pairs per dimension per sample.
B, H, W = 64, 512, 512
D = 2          # len(homology_dimensions) = [0, 1]
P = 4096       # finite (birth, death) pairs per dimension per sample


def setup_inputs(seed: int = 0) -> dict:
    key = jax.random.key(seed)
    kx, kb, kd = jax.random.split(key, 3)
    X = jax.random.normal(kx, (B, H, W), dtype=jnp.float32)
    # The GUDHI cubical-complex topology computation is non-differentiable; it only
    # produces integer pixel indices of topologically critical cells. We model its
    # output as precomputed index tensors (constants w.r.t. the graph), which is
    # exactly how the original layer treats them: gradients flow only through the
    # gather from X.
    birth_idx = jax.random.randint(kb, (D, B, P), 0, H * W, dtype=jnp.int64 if jax.config.read('jax_enable_x64') else jnp.int32)
    death_idx = jax.random.randint(kd, (D, B, P), 0, H * W, dtype=birth_idx.dtype)
    return {"X": X, "birth_idx": birth_idx, "death_idx": death_idx}


def reference(X, birth_idx, death_idx):
    # Faithful translation of the differentiable part of
    # DifferentiableCubicalLayer.forward:
    #   - flatten each sample grid
    #   - gather birth/death pixel values from the ORIGINAL tensor at critical indices
    #   - stack into (birth, death) diagrams
    # Output packs the list-of-lists of (P, 2) diagrams into a dense
    # (D, B, P, 2) array (fixed pair count per dim/sample).
    b = X.shape[0]
    Xf = X.reshape(b, -1)                      # (B, H*W)
    sample_ids = jnp.arange(b)[None, :, None]  # (1, B, 1) broadcast over dims/pairs
    birth_values = Xf[sample_ids, birth_idx]   # (D, B, P) gather
    death_values = Xf[sample_ids, death_idx]   # (D, B, P) gather
    diagrams = jnp.stack([birth_values, death_values], axis=-1)  # (D, B, P, 2)
    return diagrams

if __name__ == "__main__":
    import jax
    _d = setup_inputs()
    print(jax.jit(kernel)(*tuple(_d.values())))

</pallas_src>

<mosaic_0001>
#map = affine_map<(d0, d1) -> (0)>
#map1 = affine_map<(d0, d1) -> (0, 0)>
module attributes {stable_mosaic.version = 14 : i64} {
  func.func @_sc_body(%arg0: i32, %arg1: i32, %arg2: memref<16777216xf32, #tpu.memory_space<hbm>>, %arg3: memref<128x4096xi32, #tpu.memory_space<hbm>>, %arg4: memref<128x4096xi32, #tpu.memory_space<hbm>>, %arg5: memref<1048576xf32, #tpu.memory_space<hbm>>, %arg6: memref<4096xi32, #tpu.memory_space<vmem>>, %arg7: memref<4096xi32, #tpu.memory_space<vmem>>, %arg8: memref<4096xi32, #tpu.memory_space<vmem>>, %arg9: memref<4096xi32, #tpu.memory_space<vmem>>, %arg10: memref<8192xi32, #tpu.memory_space<vmem>>, %arg11: memref<8192xi32, #tpu.memory_space<vmem>>, %arg12: memref<8192xf32, #tpu.memory_space<vmem>>, %arg13: memref<8192xf32, #tpu.memory_space<vmem>>, %arg14: memref<!tpu.dma_semaphore, #tpu.memory_space<semaphore_mem>>, %arg15: memref<!tpu.dma_semaphore, #tpu.memory_space<semaphore_mem>>, %arg16: memref<!tpu.dma_semaphore, #tpu.memory_space<semaphore_mem>>, %arg17: memref<!tpu.dma_semaphore, #tpu.memory_space<semaphore_mem>>) attributes {dimension_semantics = [#tpu.dimension_semantics<core_parallel>, #tpu.dimension_semantics<subcore_parallel>], iteration_bounds = array<i64: 2, 16>, scalar_prefetch = 0 : i64, scratch_operands = 12 : i64, tpu.core_type = #tpu.core_type<sc_vector_subcore>, window_params = [{transform_indices = #map}, {transform_indices = #map1}, {transform_indices = #map1}, {transform_indices = #map}]} {
    %mul3A = arith.constant 2 : i32
    %mul3A_0 = arith.muli %arg1, %mul3A : i32
    %add3A = arith.addi %mul3A_0, %arg0 : i32
    %mul3A_1 = arith.constant 4 : i32
    %mul3A_2 = arith.muli %add3A, %mul3A_1 : i32
    %add3A_3 = arith.constant 0 : i32
    %add3A_4 = arith.addi %mul3A_2, %add3A_3 : i32
    %dma_start3A = arith.constant 0 : i32
    %dma_start3A_5 = tpu.memref_slice %arg3[%add3A_4, %dma_start3A] : memref<128x4096xi32, #tpu.memory_space<hbm>> -> memref<1x4096xi32, #tpu.memory_space<hbm>>
    %dma_start3A_6 = tpu.memref_squeeze %dma_start3A_5 : memref<1x4096xi32, #tpu.memory_space<hbm>> -> memref<4096xi32, #tpu.memory_space<hbm>>
    %dma_start3A_7 = arith.constant 0 : i32
    %dma_start3A_8 = tpu.memref_slice %arg3[%add3A_4, %dma_start3A_7] : memref<128x4096xi32, #tpu.memory_space<hbm>> -> memref<1x4096xi32, #tpu.memory_space<hbm>>
    %dma_start3A_9 = tpu.memref_squeeze %dma_start3A_8 : memref<1x4096xi32, #tpu.memory_space<hbm>> -> memref<4096xi32, #tpu.memory_space<hbm>>
    tpu.enqueue_dma source(%dma_start3A_9 : memref<4096xi32, #tpu.memory_space<hbm>>) target(%arg6 : memref<4096xi32, #tpu.memory_space<vmem>>) target_semaphore(%arg14 : memref<!tpu.dma_semaphore, #tpu.memory_space<semaphore_mem>>)
    %dma_start3A_10 = arith.constant 0 : i32
    %dma_start3A_11 = tpu.memref_slice %arg4[%add3A_4, %dma_start3A_10] : memref<128x4096xi32, #tpu.memory_space<hbm>> -> memref<1x4096xi32, #tpu.memory_space<hbm>>
    %dma_start3A_12 = tpu.memref_squeeze %dma_start3A_11 : memref<1x4096xi32, #tpu.memory_space<hbm>> -> memref<4096xi32, #tpu.memory_space<hbm>>
    %dma_start3A_13 = arith.constant 0 : i32
    %dma_start3A_14 = tpu.memref_slice %arg4[%add3A_4, %dma_start3A_13] : memref<128x4096xi32, #tpu.memory_space<hbm>> -> memref<1x4096xi32, #tpu.memory_space<hbm>>
    %dma_start3A_15 = tpu.memref_squeeze %dma_start3A_14 : memref<1x4096xi32, #tpu.memory_space<hbm>> -> memref<4096xi32, #tpu.memory_space<hbm>>
    tpu.enqueue_dma source(%dma_start3A_15 : memref<4096xi32, #tpu.memory_space<hbm>>) target(%arg8 : memref<4096xi32, #tpu.memory_space<vmem>>) target_semaphore(%arg14 : memref<!tpu.dma_semaphore, #tpu.memory_space<semaphore_mem>>)
    %dma_wait3A = arith.constant 0 : i32
    %dma_wait3A_16 = arith.constant 0 : i32
    %dma_wait3A_17 = tpu.memref_slice %arg3[%dma_wait3A, %dma_wait3A_16] : memref<128x4096xi32, #tpu.memory_space<hbm>> -> memref<1x4096xi32, #tpu.memory_space<hbm>>
    %dma_wait3A_18 = tpu.memref_squeeze %dma_wait3A_17 : memref<1x4096xi32, #tpu.memory_space<hbm>> -> memref<4096xi32, #tpu.memory_space<hbm>>
    %dma_wait3A_19 = arith.constant 0 : i32
    %dma_wait3A_20 = tpu.memref_slice %arg3[%dma_wait3A, %dma_wait3A_19] : memref<128x4096xi32, #tpu.memory_space<hbm>> -> memref<1x4096xi32, #tpu.memory_space<hbm>>
    %dma_wait3A_21 = tpu.memref_squeeze %dma_wait3A_20 : memref<1x4096xi32, #tpu.memory_space<hbm>> -> memref<4096xi32, #tpu.memory_space<hbm>>
    tpu.wait_dma2 semaphore(%arg14 : memref<!tpu.dma_semaphore, #tpu.memory_space<semaphore_mem>>) src(%dma_wait3A_21 : memref<4096xi32, #tpu.memory_space<hbm>>) dst(%arg6 : memref<4096xi32, #tpu.memory_space<vmem>>)
    %dma_wait3A_22 = arith.constant 0 : i32
    %dma_wait3A_23 = arith.constant 0 : i32
    %dma_wait3A_24 = tpu.memref_slice %arg4[%dma_wait3A_22, %dma_wait3A_23] : memref<128x4096xi32, #tpu.memory_space<hbm>> -> memref<1x4096xi32, #tpu.memory_space<hbm>>
    %dma_wait3A_25 = tpu.memref_squeeze %dma_wait3A_24 : memref<1x4096xi32, #tpu.memory_space<hbm>> -> memref<4096xi32, #tpu.memory_space<hbm>>
    %dma_wait3A_26 = arith.constant 0 : i32
    %dma_wait3A_27 = tpu.memref_slice %arg4[%dma_wait3A_22, %dma_wait3A_26] : memref<128x4096xi32, #tpu.memory_space<hbm>> -> memref<1x4096xi32, #tpu.memory_space<hbm>>
    %dma_wait3A_28 = tpu.memref_squeeze %dma_wait3A_27 : memref<1x4096xi32, #tpu.memory_space<hbm>> -> memref<4096xi32, #tpu.memory_space<hbm>>
    tpu.wait_dma2 semaphore(%arg14 : memref<!tpu.dma_semaphore, #tpu.memory_space<semaphore_mem>>) src(%dma_wait3A_28 : memref<4096xi32, #tpu.memory_space<hbm>>) dst(%arg8 : memref<4096xi32, #tpu.memory_space<vmem>>)
    %mul3A_29 = arith.constant 4 : i32
    %mul3A_30 = arith.muli %add3A, %mul3A_29 : i32
    %add3A_31 = arith.constant 1 : i32
    %add3A_32 = arith.addi %mul3A_30, %add3A_31 : i32
    %dma_start3A_33 = arith.constant 0 : i32
    %dma_start3A_34 = tpu.memref_slice %arg3[%add3A_32, %dma_start3A_33] : memref<128x4096xi32, #tpu.memory_space<hbm>> -> memref<1x4096xi32, #tpu.memory_space<hbm>>
    %dma_start3A_35 = tpu.memref_squeeze %dma_start3A_34 : memref<1x4096xi32, #tpu.memory_space<hbm>> -> memref<4096xi32, #tpu.memory_space<hbm>>
    %dma_start3A_36 = arith.constant 0 : i32
    %dma_start3A_37 = tpu.memref_slice %arg3[%add3A_32, %dma_start3A_36] : memref<128x4096xi32, #tpu.memory_space<hbm>> -> memref<1x4096xi32, #tpu.memory_space<hbm>>
    %dma_start3A_38 = tpu.memref_squeeze %dma_start3A_37 : memref<1x4096xi32, #tpu.memory_space<hbm>> -> memref<4096xi32, #tpu.memory_space<hbm>>
    tpu.enqueue_dma source(%dma_start3A_38 : memref<4096xi32, #tpu.memory_space<hbm>>) target(%arg7 : memref<4096xi32, #tpu.memory_space<vmem>>) target_semaphore(%arg14 : memref<!tpu.dma_semaphore, #tpu.memory_space<semaphore_mem>>)
    %dma_start3A_39 = arith.constant 0 : i32
    %dma_start3A_40 = tpu.memref_slice %arg4[%add3A_32, %dma_start3A_39] : memref<128x4096xi32, #tpu.memory_space<hbm>> -> memref<1x4096xi32, #tpu.memory_space<hbm>>
    %dma_start3A_41 = tpu.memref_squeeze %dma_start3A_40 : memref<1x4096xi32, #tpu.memory_space<hbm>> -> memref<4096xi32, #tpu.memory_space<hbm>>
    %dma_start3A_42 = arith.constant 0 : i32
    %dma_start3A_43 = tpu.memref_slice %arg4[%add3A_32, %dma_start3A_42] : memref<128x4096xi32, #tpu.memory_space<hbm>> -> memref<1x4096xi32, #tpu.memory_space<hbm>>
    %dma_start3A_44 = tpu.memref_squeeze %dma_start3A_43 : memref<1x4096xi32, #tpu.memory_space<hbm>> -> memref<4096xi32, #tpu.memory_space<hbm>>
    tpu.enqueue_dma source(%dma_start3A_44 : memref<4096xi32, #tpu.memory_space<hbm>>) target(%arg9 : memref<4096xi32, #tpu.memory_space<vmem>>) target_semaphore(%arg14 : memref<!tpu.dma_semaphore, #tpu.memory_space<semaphore_mem>>)
    %mul3A_45 = arith.constant 4 : i32
    %mul3A_46 = arith.muli %add3A, %mul3A_45 : i32
    %add3A_47 = arith.constant 0 : i32
    %add3A_48 = arith.addi %mul3A_46, %add3A_47 : i32
    %rem3A = arith.constant 64 : i32
    %rem3A_49 = arith.remsi %add3A_48, %rem3A : i32
    %mul3A_50 = arith.constant 262144 : i32
    %mul3A_51 = arith.muli %rem3A_49, %mul3A_50 : i32
    %scan3A = arith.constant 0 : i32
    %scan3A_52 = arith.constant 0 : i32
    %scan3A_53 = arith.constant 64 : i32
    %scan3A_54 = arith.addi %scan3A_52, %scan3A_53 : i32
    %scan3A_55 = arith.constant 1 : i32
    scf.for %scan3A_501 = %scan3A_52 to %scan3A_54 step %scan3A_55  : i32 {
      %shift_right_logical3A = arith.constant 3 : i32
      %shift_right_logical3A_502 = arith.shrui %scan3A_501, %shift_right_logical3A : i32
      %mul3A_503 = arith.constant 256 : i32
      %mul3A_504 = arith.muli %shift_right_logical3A_502, %mul3A_503 : i32
      %and3A = arith.constant 7 : i32
      %and3A_505 = arith.andi %scan3A_501, %and3A : i32
      %mul3A_506 = arith.constant 16 : i32
      %mul3A_507 = arith.muli %and3A_505, %mul3A_506 : i32
      %add3A_508 = arith.addi %mul3A_504, %mul3A_507 : i32
      %mul3A_509 = arith.constant 16 : i32
      %mul3A_510 = arith.muli %scan3A_501, %mul3A_509 : i32
      %get3A = arith.index_cast %mul3A_510 : i32 to index
      %get3A_511 = tpu.vector_load %arg6[%get3A] {strides = array<i32>} : memref<4096xi32, #tpu.memory_space<vmem>>, vector<16xi32>,
      %add3A_512 = vector.broadcast %mul3A_51 : i32 to vector<16xi32>
      %add3A_513 = arith.addi %get3A_511, %add3A_512 : vector<16xi32>
      %swap3A = arith.index_cast %add3A_508 : i32 to index
      %swap3A_514 = tpu.vector_load %arg10[%swap3A] {strides = array<i32>} : memref<8192xi32, #tpu.memory_space<vmem>>, vector<16xi32>,
      tpu.vector_store %arg10[%swap3A], %add3A_513 {strides = array<i32>} : memref<8192xi32, #tpu.memory_space<vmem>>, vector<16xi32>,
      %mul3A_515 = arith.constant 16 : i32
      %mul3A_516 = arith.muli %scan3A_501, %mul3A_515 : i32
      %get3A_517 = arith.index_cast %mul3A_516 : i32 to index
      %get3A_518 = tpu.vector_load %arg8[%get3A_517] {strides = array<i32>} : memref<4096xi32, #tpu.memory_space<vmem>>, vector<16xi32>,
      %add3A_519 = vector.broadcast %mul3A_51 : i32 to vector<16xi32>
      %add3A_520 = arith.addi %get3A_518, %add3A_519 : vector<16xi32>
      %add3A_521 = arith.constant 128 : i32
      %add3A_522 = arith.addi %add3A_508, %add3A_521 : i32
      %swap3A_523 = arith.index_cast %add3A_522 : i32 to index
      %swap3A_524 = tpu.vector_load %arg10[%swap3A_523] {strides = array<i32>} : memref<8192xi32, #tpu.memory_space<vmem>>, vector<16xi32>,
      tpu.vector_store %arg10[%swap3A_523], %add3A_520 {strides = array<i32>} : memref<8192xi32, #tpu.memory_space<vmem>>, vector<16xi32>,
    }
    %scan3A_56 = arith.constant 64 : i32
    %dma_start3A_57 = arith.constant 0 : i32
    %dma_start3A_58 = tpu.memref_slice %arg12[%dma_start3A_57] : memref<8192xf32, #tpu.memory_space<vmem>> -> memref<2048xf32, #tpu.memory_space<vmem>>
    %dma_start3A_59 = arith.constant 0 : i32
    %dma_start3A_60 = tpu.memref_slice %arg10[%dma_start3A_59] : memref<8192xi32, #tpu.memory_space<vmem>> -> memref<2048xi32, #tpu.memory_space<vmem>>
    %dma_start3A_61 = arith.constant 0 : i32
    %dma_start3A_62 = tpu.memref_slice %arg2[%dma_start3A_61] : memref<16777216xf32, #tpu.memory_space<hbm>> -> memref<16777216xf32, #tpu.memory_space<hbm>>
    tpu.enqueue_indirect_dma source(%dma_start3A_62 : memref<16777216xf32, #tpu.memory_space<hbm>>) target(%dma_start3A_58 : memref<2048xf32, #tpu.memory_space<vmem>>) offsets(%dma_start3A_60 : memref<2048xi32, #tpu.memory_space<vmem>>) semaphore(%arg15 : memref<!tpu.dma_semaphore, #tpu.memory_space<semaphore_mem>>)
    %scan3A_63 = arith.constant 0 : i32
    %scan3A_64 = arith.constant 64 : i32
    %scan3A_65 = arith.constant 64 : i32
    %scan3A_66 = arith.addi %scan3A_64, %scan3A_65 : i32
    %scan3A_67 = arith.constant 1 : i32
    scf.for %scan3A_501 = %scan3A_64 to %scan3A_66 step %scan3A_67  : i32 {
      %shift_right_logical3A = arith.constant 3 : i32
      %shift_right_logical3A_502 = arith.shrui %scan3A_501, %shift_right_logical3A : i32
      %mul3A_503 = arith.constant 256 : i32
      %mul3A_504 = arith.muli %shift_right_logical3A_502, %mul3A_503 : i32
      %and3A = arith.constant 7 : i32
      %and3A_505 = arith.andi %scan3A_501, %and3A : i32
      %mul3A_506 = arith.constant 16 : i32
      %mul3A_507 = arith.muli %and3A_505, %mul3A_506 : i32
      %add3A_508 = arith.addi %mul3A_504, %mul3A_507 : i32
      %mul3A_509 = arith.constant 16 : i32
      %mul3A_510 = arith.muli %scan3A_501, %mul3A_509 : i32
      %get3A = arith.index_cast %mul3A_510 : i32 to index
      %get3A_511 = tpu.vector_load %arg6[%get3A] {strides = array<i32>} : memref<4096xi32, #tpu.memory_space<vmem>>, vector<16xi32>,
      %add3A_512 = vector.broadcast %mul3A_51 : i32 to vector<16xi32>
      %add3A_513 = arith.addi %get3A_511, %add3A_512 : vector<16xi32>
      %swap3A = arith.index_cast %add3A_508 : i32 to index
      %swap3A_514 = tpu.vector_load %arg10[%swap3A] {strides = array<i32>} : memref<8192xi32, #tpu.memory_space<vmem>>, vector<16xi32>,
      tpu.vector_store %arg10[%swap3A], %add3A_513 {strides = array<i32>} : memref<8192xi32, #tpu.memory_space<vmem>>, vector<16xi32>,
      %mul3A_515 = arith.constant 16 : i32
      %mul3A_516 = arith.muli %scan3A_501, %mul3A_515 : i32
      %get3A_517 = arith.index_cast %mul3A_516 : i32 to index
      %get3A_518 = tpu.vector_load %arg8[%get3A_517] {strides = array<i32>} : memref<4096xi32, #tpu.memory_space<vmem>>, vector<16xi32>,
      %add3A_519 = vector.broadcast %mul3A_51 : i32 to vector<16xi32>
      %add3A_520 = arith.addi %get3A_518, %add3A_519 : vector<16xi32>
      %add3A_521 = arith.constant 128 : i32
      %add3A_522 = arith.addi %add3A_508, %add3A_521 : i32
      %swap3A_523 = arith.index_cast %add3A_522 : i32 to index
      %swap3A_524 = tpu.vector_load %arg10[%swap3A_523] {strides = array<i32>} : memref<8192xi32, #tpu.memory_space<vmem>>, vector<16xi32>,
      tpu.vector_store %arg10[%swap3A_523], %add3A_520 {strides = array<i32>} : memref<8192xi32, #tpu.memory_space<vmem>>, vector<16xi32>,
    }
    %scan3A_68 = arith.constant 64 : i32
    %dma_start3A_69 = arith.constant 2048 : i32
    %dma_start3A_70 = tpu.memref_slice %arg12[%dma_start3A_69] : memref<8192xf32, #tpu.memory_space<vmem>> -> memref<2048xf32, #tpu.memory_space<vmem>>
    %dma_start3A_71 = arith.constant 2048 : i32
    %dma_start3A_72 = tpu.memref_slice %arg10[%dma_start3A_71] : memref<8192xi32, #tpu.memory_space<vmem>> -> memref<2048xi32, #tpu.memory_space<vmem>>
    %dma_start3A_73 = arith.constant 0 : i32
    %dma_start3A_74 = tpu.memref_slice %arg2[%dma_start3A_73] : memref<16777216xf32, #tpu.memory_space<hbm>> -> memref<16777216xf32, #tpu.memory_space<hbm>>
    tpu.enqueue_indirect_dma source(%dma_start3A_74 : memref<16777216xf32, #tpu.memory_space<hbm>>) target(%dma_start3A_70 : memref<2048xf32, #tpu.memory_space<vmem>>) offsets(%dma_start3A_72 : memref<2048xi32, #tpu.memory_space<vmem>>) semaphore(%arg15 : memref<!tpu.dma_semaphore, #tpu.memory_space<semaphore_mem>>)
    %scan3A_75 = arith.constant 0 : i32
    %scan3A_76 = arith.constant 128 : i32
    %scan3A_77 = arith.constant 64 : i32
    %scan3A_78 = arith.addi %scan3A_76, %scan3A_77 : i32
    %scan3A_79 = arith.constant 1 : i32
    scf.for %scan3A_501 = %scan3A_76 to %scan3A_78 step %scan3A_79  : i32 {
      %shift_right_logical3A = arith.constant 3 : i32
      %shift_right_logical3A_502 = arith.shrui %scan3A_501, %shift_right_logical3A : i32
      %mul3A_503 = arith.constant 256 : i32
      %mul3A_504 = arith.muli %shift_right_logical3A_502, %mul3A_503 : i32
      %and3A = arith.constant 7 : i32
      %and3A_505 = arith.andi %scan3A_501, %and3A : i32
      %mul3A_506 = arith.constant 16 : i32
      %mul3A_507 = arith.muli %and3A_505, %mul3A_506 : i32
      %add3A_508 = arith.addi %mul3A_504, %mul3A_507 : i32
      %mul3A_509 = arith.constant 16 : i32
      %mul3A_510 = arith.muli %scan3A_501, %mul3A_509 : i32
      %get3A = arith.index_cast %mul3A_510 : i32 to index
      %get3A_511 = tpu.vector_load %arg6[%get3A] {strides = array<i32>} : memref<4096xi32, #tpu.memory_space<vmem>>, vector<16xi32>,
      %add3A_512 = vector.broadcast %mul3A_51 : i32 to vector<16xi32>
      %add3A_513 = arith.addi %get3A_511, %add3A_512 : vector<16xi32>
      %swap3A = arith.index_cast %add3A_508 : i32 to index
      %swap3A_514 = tpu.vector_load %arg10[%swap3A] {strides = array<i32>} : memref<8192xi32, #tpu.memory_space<vmem>>, vector<16xi32>,
      tpu.vector_store %arg10[%swap3A], %add3A_513 {strides = array<i32>} : memref<8192xi32, #tpu.memory_space<vmem>>, vector<16xi32>,
      %mul3A_515 = arith.constant 16 : i32
      %mul3A_516 = arith.muli %scan3A_501, %mul3A_515 : i32
      %get3A_517 = arith.index_cast %mul3A_516 : i32 to index
      %get3A_518 = tpu.vector_load %arg8[%get3A_517] {strides = array<i32>} : memref<4096xi32, #tpu.memory_space<vmem>>, vector<16xi32>,
      %add3A_519 = vector.broadcast %mul3A_51 : i32 to vector<16xi32>
      %add3A_520 = arith.addi %get3A_518, %add3A_519 : vector<16xi32>
      %add3A_521 = arith.constant 128 : i32
      %add3A_522 = arith.addi %add3A_508, %add3A_521 : i32
      %swap3A_523 = arith.index_cast %add3A_522 : i32 to index
      %swap3A_524 = tpu.vector_load %arg10[%swap3A_523] {strides = array<i32>} : memref<8192xi32, #tpu.memory_space<vmem>>, vector<16xi32>,
      tpu.vector_store %arg10[%swap3A_523], %add3A_520 {strides = array<i32>} : memref<8192xi32, #tpu.memory_space<vmem>>, vector<16xi32>,
    }
    %scan3A_80 = arith.constant 64 : i32
    %dma_start3A_81 = arith.constant 4096 : i32
    %dma_start3A_82 = tpu.memref_slice %arg12[%dma_start3A_81] : memref<8192xf32, #tpu.memory_space<vmem>> -> memref<2048xf32, #tpu.memory_space<vmem>>
    %dma_start3A_83 = arith.constant 4096 : i32
    %dma_start3A_84 = tpu.memref_slice %arg10[%dma_start3A_83] : memref<8192xi32, #tpu.memory_space<vmem>> -> memref<2048xi32, #tpu.memory_space<vmem>>
    %dma_start3A_85 = arith.constant 0 : i32
    %dma_start3A_86 = tpu.memref_slice %arg2[%dma_start3A_85] : memref<16777216xf32, #tpu.memory_space<hbm>> -> memref<16777216xf32, #tpu.memory_space<hbm>>
    tpu.enqueue_indirect_dma source(%dma_start3A_86 : memref<16777216xf32, #tpu.memory_space<hbm>>) target(%dma_start3A_82 : memref<2048xf32, #tpu.memory_space<vmem>>) offsets(%dma_start3A_84 : memref<2048xi32, #tpu.memory_space<vmem>>) semaphore(%arg15 : memref<!tpu.dma_semaphore, #tpu.memory_space<semaphore_mem>>)
    %scan3A_87 = arith.constant 0 : i32
    %scan3A_88 = arith.constant 192 : i32
    %scan3A_89 = arith.constant 64 : i32
    %scan3A_90 = arith.addi %scan3A_88, %scan3A_89 : i32
    %scan3A_91 = arith.constant 1 : i32
    scf.for %scan3A_501 = %scan3A_88 to %scan3A_90 step %scan3A_91  : i32 {
      %shift_right_logical3A = arith.constant 3 : i32
      %shift_right_logical3A_502 = arith.shrui %scan3A_501, %shift_right_logical3A : i32
      %mul3A_503 = arith.constant 256 : i32
      %mul3A_504 = arith.muli %shift_right_logical3A_502, %mul3A_503 : i32
      %and3A = arith.constant 7 : i32
      %and3A_505 = arith.andi %scan3A_501, %and3A : i32
      %mul3A_506 = arith.constant 16 : i32
      %mul3A_507 = arith.muli %and3A_505, %mul3A_506 : i32
      %add3A_508 = arith.addi %mul3A_504, %mul3A_507 : i32
      %mul3A_509 = arith.constant 16 : i32
      %mul3A_510 = arith.muli %scan3A_501, %mul3A_509 : i32
      %get3A = arith.index_cast %mul3A_510 : i32 to index
      %get3A_511 = tpu.vector_load %arg6[%get3A] {strides = array<i32>} : memref<4096xi32, #tpu.memory_space<vmem>>, vector<16xi32>,
      %add3A_512 = vector.broadcast %mul3A_51 : i32 to vector<16xi32>
      %add3A_513 = arith.addi %get3A_511, %add3A_512 : vector<16xi32>
      %swap3A = arith.index_cast %add3A_508 : i32 to index
      %swap3A_514 = tpu.vector_load %arg10[%swap3A] {strides = array<i32>} : memref<8192xi32, #tpu.memory_space<vmem>>, vector<16xi32>,
      tpu.vector_store %arg10[%swap3A], %add3A_513 {strides = array<i32>} : memref<8192xi32, #tpu.memory_space<vmem>>, vector<16xi32>,
      %mul3A_515 = arith.constant 16 : i32
      %mul3A_516 = arith.muli %scan3A_501, %mul3A_515 : i32
      %get3A_517 = arith.index_cast %mul3A_516 : i32 to index
      %get3A_518 = tpu.vector_load %arg8[%get3A_517] {strides = array<i32>} : memref<4096xi32, #tpu.memory_space<vmem>>, vector<16xi32>,
      %add3A_519 = vector.broadcast %mul3A_51 : i32 to vector<16xi32>
      %add3A_520 = arith.addi %get3A_518, %add3A_519 : vector<16xi32>
      %add3A_521 = arith.constant 128 : i32
      %add3A_522 = arith.addi %add3A_508, %add3A_521 : i32
      %swap3A_523 = arith.index_cast %add3A_522 : i32 to index
      %swap3A_524 = tpu.vector_load %arg10[%swap3A_523] {strides = array<i32>} : memref<8192xi32, #tpu.memory_space<vmem>>, vector<16xi32>,
      tpu.vector_store %arg10[%swap3A_523], %add3A_520 {strides = array<i32>} : memref<8192xi32, #tpu.memory_space<vmem>>, vector<16xi32>,
    }
    %scan3A_92 = arith.constant 64 : i32
    %dma_start3A_93 = arith.constant 6144 : i32
    %dma_start3A_94 = tpu.memref_slice %arg12[%dma_start3A_93] : memref<8192xf32, #tpu.memory_space<vmem>> -> memref<2048xf32, #tpu.memory_space<vmem>>
    %dma_start3A_95 = arith.constant 6144 : i32
    %dma_start3A_96 = tpu.memref_slice %arg10[%dma_start3A_95] : memref<8192xi32, #tpu.memory_space<vmem>> -> memref<2048xi32, #tpu.memory_space<vmem>>
    %dma_start3A_97 = arith.constant 0 : i32
    %dma_start3A_98 = tpu.memref_slice %arg2[%dma_start3A_97] : memref<16777216xf32, #tpu.memory_space<hbm>> -> memref<16777216xf32, #tpu.memory_space<hbm>>
    tpu.enqueue_indirect_dma source(%dma_start3A_98 : memref<16777216xf32, #tpu.memory_space<hbm>>) target(%dma_start3A_94 : memref<2048xf32, #tpu.memory_space<vmem>>) offsets(%dma_start3A_96 : memref<2048xi32, #tpu.memory_space<vmem>>) semaphore(%arg15 : memref<!tpu.dma_semaphore, #tpu.memory_space<semaphore_mem>>)
    %dma_wait3A_99 = arith.constant 0 : i32
    %dma_wait3A_100 = arith.constant 0 : i32
    %dma_wait3A_101 = tpu.memref_slice %arg3[%dma_wait3A_99, %dma_wait3A_100] : memref<128x4096xi32, #tpu.memory_space<hbm>> -> memref<1x4096xi32, #tpu.memory_space<hbm>>
    %dma_wait3A_102 = tpu.memref_squeeze %dma_wait3A_101 : memref<1x4096xi32, #tpu.memory_space<hbm>> -> memref<4096xi32, #tpu.memory_space<hbm>>
    %dma_wait3A_103 = arith.constant 0 : i32
    %dma_wait3A_104 = tpu.memref_slice %arg3[%dma_wait3A_99, %dma_wait3A_103] : memref<128x4096xi32, #tpu.memory_space<hbm>> -> memref<1x4096xi32, #tpu.memory_space<hbm>>
    %dma_wait3A_105 = tpu.memref_squeeze %dma_wait3A_104 : memref<1x4096xi32, #tpu.memory_space<hbm>> -> memref<4096xi32, #tpu.memory_space<hbm>>
    tpu.wait_dma2 semaphore(%arg14 : memref<!tpu.dma_semaphore, #tpu.memory_space<semaphore_mem>>) src(%dma_wait3A_105 : memref<4096xi32, #tpu.memory_space<hbm>>) dst(%arg7 : memref<4096xi32, #tpu.memory_space<vmem>>)
    %dma_wait3A_106 = arith.constant 0 : i32
    %dma_wait3A_107 = arith.constant 0 : i32
    %dma_wait3A_108 = tpu.memref_slice %arg4[%dma_wait3A_106, %dma_wait3A_107] : memref<128x4096xi32, #tpu.memory_space<hbm>> -> memref<1x4096xi32, #tpu.memory_space<hbm>>
    %dma_wait3A_109 = tpu.memref_squeeze %dma_wait3A_108 : memref<1x4096xi32, #tpu.memory_space<hbm>> -> memref<4096xi32, #tpu.memory_space<hbm>>
    %dma_wait3A_110 = arith.constant 0 : i32
    %dma_wait3A_111 = tpu.memref_slice %arg4[%dma_wait3A_106, %dma_wait3A_110] : memref<128x4096xi32, #tpu.memory_space<hbm>> -> memref<1x4096xi32, #tpu.memory_space<hbm>>
    %dma_wait3A_112 = tpu.memref_squeeze %dma_wait3A_111 : memref<1x4096xi32, #tpu.memory_space<hbm>> -> memref<4096xi32, #tpu.memory_space<hbm>>
    tpu.wait_dma2 semaphore(%arg14 : memref<!tpu.dma_semaphore, #tpu.memory_space<semaphore_mem>>) src(%dma_wait3A_112 : memref<4096xi32, #tpu.memory_space<hbm>>) dst(%arg9 : memref<4096xi32, #tpu.memory_space<vmem>>)
    %mul3A_113 = arith.constant 4 : i32
    %mul3A_114 = arith.muli %add3A, %mul3A_113 : i32
    %add3A_115 = arith.constant 2 : i32
    %add3A_116 = arith.addi %mul3A_114, %add3A_115 : i32
    %dma_start3A_117 = arith.constant 0 : i32
    %dma_start3A_118 = tpu.memref_slice %arg3[%add3A_116, %dma_start3A_117] : memref<128x4096xi32, #tpu.memory_space<hbm>> -> memref<1x4096xi32, #tpu.memory_space<hbm>>
    %dma_start3A_119 = tpu.memref_squeeze %dma_start3A_118 : memref<1x4096xi32, #tpu.memory_space<hbm>> -> memref<4096xi32, #tpu.memory_space<hbm>>
    %dma_start3A_120 = arith.constant 0 : i32
    %dma_start3A_121 = tpu.memref_slice %arg3[%add3A_116, %dma_start3A_120] : memref<128x4096xi32, #tpu.memory_space<hbm>> -> memref<1x4096xi32, #tpu.memory_space<hbm>>
    %dma_start3A_122 = tpu.memref_squeeze %dma_start3A_121 : memref<1x4096xi32, #tpu.memory_space<hbm>> -> memref<4096xi32, #tpu.memory_space<hbm>>
    tpu.enqueue_dma source(%dma_start3A_122 : memref<4096xi32, #tpu.memory_space<hbm>>) target(%arg6 : memref<4096xi32, #tpu.memory_space<vmem>>) target_semaphore(%arg14 : memref<!tpu.dma_semaphore, #tpu.memory_space<semaphore_mem>>)
    %dma_start3A_123 = arith.constant 0 : i32
    %dma_start3A_124 = tpu.memref_slice %arg4[%add3A_116, %dma_start3A_123] : memref<128x4096xi32, #tpu.memory_space<hbm>> -> memref<1x4096xi32, #tpu.memory_space<hbm>>
    %dma_start3A_125 = tpu.memref_squeeze %dma_start3A_124 : memref<1x4096xi32, #tpu.memory_space<hbm>> -> memref<4096xi32, #tpu.memory_space<hbm>>
    %dma_start3A_126 = arith.constant 0 : i32
    %dma_start3A_127 = tpu.memref_slice %arg4[%add3A_116, %dma_start3A_126] : memref<128x4096xi32, #tpu.memory_space<hbm>> -> memref<1x4096xi32, #tpu.memory_space<hbm>>
    %dma_start3A_128 = tpu.memref_squeeze %dma_start3A_127 : memref<1x4096xi32, #tpu.memory_space<hbm>> -> memref<4096xi32, #tpu.memory_space<hbm>>
    tpu.enqueue_dma source(%dma_start3A_128 : memref<4096xi32, #tpu.memory_space<hbm>>) target(%arg8 : memref<4096xi32, #tpu.memory_space<vmem>>) target_semaphore(%arg14 : memref<!tpu.dma_semaphore, #tpu.memory_space<semaphore_mem>>)
    %mul3A_129 = arith.constant 4 : i32
    %mul3A_130 = arith.muli %add3A, %mul3A_129 : i32
    %add3A_131 = arith.constant 1 : i32
    %add3A_132 = arith.addi %mul3A_130, %add3A_131 : i32
    %rem3A_133 = arith.constant 64 : i32
    %rem3A_134 = arith.remsi %add3A_132, %rem3A_133 : i32
    %mul3A_135 = arith.constant 262144 : i32
    %mul3A_136 = arith.muli %rem3A_134, %mul3A_135 : i32
    %scan3A_137 = arith.constant 0 : i32
    %scan3A_138 = arith.constant 0 : i32
    %scan3A_139 = arith.constant 64 : i32
    %scan3A_140 = arith.addi %scan3A_138, %scan3A_139 : i32
    %scan3A_141 = arith.constant 1 : i32
    scf.for %scan3A_501 = %scan3A_138 to %scan3A_140 step %scan3A_141  : i32 {
      %shift_right_logical3A = arith.constant 3 : i32
      %shift_right_logical3A_502 = arith.shrui %scan3A_501, %shift_right_logical3A : i32
      %mul3A_503 = arith.constant 256 : i32
      %mul3A_504 = arith.muli %shift_right_logical3A_502, %mul3A_503 : i32
      %and3A = arith.constant 7 : i32
      %and3A_505 = arith.andi %scan3A_501, %and3A : i32
      %mul3A_506 = arith.constant 16 : i32
      %mul3A_507 = arith.muli %and3A_505, %mul3A_506 : i32
      %add3A_508 = arith.addi %mul3A_504, %mul3A_507 : i32
      %mul3A_509 = arith.constant 16 : i32
      %mul3A_510 = arith.muli %scan3A_501, %mul3A_509 : i32
      %get3A = arith.index_cast %mul3A_510 : i32 to index
      %get3A_511 = tpu.vector_load %arg7[%get3A] {strides = array<i32>} : memref<4096xi32, #tpu.memory_space<vmem>>, vector<16xi32>,
      %add3A_512 = vector.broadcast %mul3A_136 : i32 to vector<16xi32>
      %add3A_513 = arith.addi %get3A_511, %add3A_512 : vector<16xi32>
      %swap3A = arith.index_cast %add3A_508 : i32 to index
      %swap3A_514 = tpu.vector_load %arg11[%swap3A] {strides = array<i32>} : memref<8192xi32, #tpu.memory_space<vmem>>, vector<16xi32>,
      tpu.vector_store %arg11[%swap3A], %add3A_513 {strides = array<i32>} : memref<8192xi32, #tpu.memory_space<vmem>>, vector<16xi32>,
      %mul3A_515 = arith.constant 16 : i32
      %mul3A_516 = arith.muli %scan3A_501, %mul3A_515 : i32
      %get3A_517 = arith.index_cast %mul3A_516 : i32 to index
      %get3A_518 = tpu.vector_load %arg9[%get3A_517] {strides = array<i32>} : memref<4096xi32, #tpu.memory_space<vmem>>, vector<16xi32>,
      %add3A_519 = vector.broadcast %mul3A_136 : i32 to vector<16xi32>
      %add3A_520 = arith.addi %get3A_518, %add3A_519 : vector<16xi32>
      %add3A_521 = arith.constant 128 : i32
      %add3A_522 = arith.addi %add3A_508, %add3A_521 : i32
      %swap3A_523 = arith.index_cast %add3A_522 : i32 to index
      %swap3A_524 = tpu.vector_load %arg11[%swap3A_523] {strides = array<i32>} : memref<8192xi32, #tpu.memory_space<vmem>>, vector<16xi32>,
      tpu.vector_store %arg11[%swap3A_523], %add3A_520 {strides = array<i32>} : memref<8192xi32, #tpu.memory_space<vmem>>, vector<16xi32>,
    }
    %scan3A_142 = arith.constant 64 : i32
    %dma_start3A_143 = arith.constant 0 : i32
    %dma_start3A_144 = tpu.memref_slice %arg13[%dma_start3A_143] : memref<8192xf32, #tpu.memory_space<vmem>> -> memref<2048xf32, #tpu.memory_space<vmem>>
    %dma_start3A_145 = arith.constant 0 : i32
    %dma_start3A_146 = tpu.memref_slice %arg11[%dma_start3A_145] : memref<8192xi32, #tpu.memory_space<vmem>> -> memref<2048xi32, #tpu.memory_space<vmem>>
    %dma_start3A_147 = arith.constant 0 : i32
    %dma_start3A_148 = tpu.memref_slice %arg2[%dma_start3A_147] : memref<16777216xf32, #tpu.memory_space<hbm>> -> memref<16777216xf32, #tpu.memory_space<hbm>>
    tpu.enqueue_indirect_dma source(%dma_start3A_148 : memref<16777216xf32, #tpu.memory_space<hbm>>) target(%dma_start3A_144 : memref<2048xf32, #tpu.memory_space<vmem>>) offsets(%dma_start3A_146 : memref<2048xi32, #tpu.memory_space<vmem>>) semaphore(%arg16 : memref<!tpu.dma_semaphore, #tpu.memory_space<semaphore_mem>>)
    %scan3A_149 = arith.constant 0 : i32
    %scan3A_150 = arith.constant 64 : i32
    %scan3A_151 = arith.constant 64 : i32
    %scan3A_152 = arith.addi %scan3A_150, %scan3A_151 : i32
    %scan3A_153 = arith.constant 1 : i32
    scf.for %scan3A_501 = %scan3A_150 to %scan3A_152 step %scan3A_153  : i32 {
      %shift_right_logical3A = arith.constant 3 : i32
      %shift_right_logical3A_502 = arith.shrui %scan3A_501, %shift_right_logical3A : i32
      %mul3A_503 = arith.constant 256 : i32
      %mul3A_504 = arith.muli %shift_right_logical3A_502, %mul3A_503 : i32
      %and3A = arith.constant 7 : i32
      %and3A_505 = arith.andi %scan3A_501, %and3A : i32
      %mul3A_506 = arith.constant 16 : i32
      %mul3A_507 = arith.muli %and3A_505, %mul3A_506 : i32
      %add3A_508 = arith.addi %mul3A_504, %mul3A_507 : i32
      %mul3A_509 = arith.constant 16 : i32
      %mul3A_510 = arith.muli %scan3A_501, %mul3A_509 : i32
      %get3A = arith.index_cast %mul3A_510 : i32 to index
      %get3A_511 = tpu.vector_load %arg7[%get3A] {strides = array<i32>} : memref<4096xi32, #tpu.memory_space<vmem>>, vector<16xi32>,
      %add3A_512 = vector.broadcast %mul3A_136 : i32 to vector<16xi32>
      %add3A_513 = arith.addi %get3A_511, %add3A_512 : vector<16xi32>
      %swap3A = arith.index_cast %add3A_508 : i32 to index
      %swap3A_514 = tpu.vector_load %arg11[%swap3A] {strides = array<i32>} : memref<8192xi32, #tpu.memory_space<vmem>>, vector<16xi32>,
      tpu.vector_store %arg11[%swap3A], %add3A_513 {strides = array<i32>} : memref<8192xi32, #tpu.memory_space<vmem>>, vector<16xi32>,
      %mul3A_515 = arith.constant 16 : i32
      %mul3A_516 = arith.muli %scan3A_501, %mul3A_515 : i32
      %get3A_517 = arith.index_cast %mul3A_516 : i32 to index
      %get3A_518 = tpu.vector_load %arg9[%get3A_517] {strides = array<i32>} : memref<4096xi32, #tpu.memory_space<vmem>>, vector<16xi32>,
      %add3A_519 = vector.broadcast %mul3A_136 : i32 to vector<16xi32>
      %add3A_520 = arith.addi %get3A_518, %add3A_519 : vector<16xi32>
      %add3A_521 = arith.constant 128 : i32
      %add3A_522 = arith.addi %add3A_508, %add3A_521 : i32
      %swap3A_523 = arith.index_cast %add3A_522 : i32 to index
      %swap3A_524 = tpu.vector_load %arg11[%swap3A_523] {strides = array<i32>} : memref<8192xi32, #tpu.memory_space<vmem>>, vector<16xi32>,
      tpu.vector_store %arg11[%swap3A_523], %add3A_520 {strides = array<i32>} : memref<8192xi32, #tpu.memory_space<vmem>>, vector<16xi32>,
    }
    %scan3A_154 = arith.constant 64 : i32
    %dma_start3A_155 = arith.constant 2048 : i32
    %dma_start3A_156 = tpu.memref_slice %arg13[%dma_start3A_155] : memref<8192xf32, #tpu.memory_space<vmem>> -> memref<2048xf32, #tpu.memory_space<vmem>>
    %dma_start3A_157 = arith.constant 2048 : i32
    %dma_start3A_158 = tpu.memref_slice %arg11[%dma_start3A_157] : memref<8192xi32, #tpu.memory_space<vmem>> -> memref<2048xi32, #tpu.memory_space<vmem>>
    %dma_start3A_159 = arith.constant 0 : i32
    %dma_start3A_160 = tpu.memref_slice %arg2[%dma_start3A_159] : memref<16777216xf32, #tpu.memory_space<hbm>> -> memref<16777216xf32, #tpu.memory_space<hbm>>
    tpu.enqueue_indirect_dma source(%dma_start3A_160 : memref<16777216xf32, #tpu.memory_space<hbm>>) target(%dma_start3A_156 : memref<2048xf32, #tpu.memory_space<vmem>>) offsets(%dma_start3A_158 : memref<2048xi32, #tpu.memory_space<vmem>>) semaphore(%arg16 : memref<!tpu.dma_semaphore, #tpu.memory_space<semaphore_mem>>)
    %scan3A_161 = arith.constant 0 : i32
    %scan3A_162 = arith.constant 128 : i32
    %scan3A_163 = arith.constant 64 : i32
    %scan3A_164 = arith.addi %scan3A_162, %scan3A_163 : i32
    %scan3A_165 = arith.constant 1 : i32
    scf.for %scan3A_501 = %scan3A_162 to %scan3A_164 step %scan3A_165  : i32 {
      %shift_right_logical3A = arith.constant 3 : i32
      %shift_right_logical3A_502 = arith.shrui %scan3A_501, %shift_right_logical3A : i32
      %mul3A_503 = arith.constant 256 : i32
      %mul3A_504 = arith.muli %shift_right_logical3A_502, %mul3A_503 : i32
      %and3A = arith.constant 7 : i32
      %and3A_505 = arith.andi %scan3A_501, %and3A : i32
      %mul3A_506 = arith.constant 16 : i32
      %mul3A_507 = arith.muli %and3A_505, %mul3A_506 : i32
      %add3A_508 = arith.addi %mul3A_504, %mul3A_507 : i32
      %mul3A_509 = arith.constant 16 : i32
      %mul3A_510 = arith.muli %scan3A_501, %mul3A_509 : i32
      %get3A = arith.index_cast %mul3A_510 : i32 to index
      %get3A_511 = tpu.vector_load %arg7[%get3A] {strides = array<i32>} : memref<4096xi32, #tpu.memory_space<vmem>>, vector<16xi32>,
      %add3A_512 = vector.broadcast %mul3A_136 : i32 to vector<16xi32>
      %add3A_513 = arith.addi %get3A_511, %add3A_512 : vector<16xi32>
      %swap3A = arith.index_cast %add3A_508 : i32 to index
      %swap3A_514 = tpu.vector_load %arg11[%swap3A] {strides = array<i32>} : memref<8192xi32, #tpu.memory_space<vmem>>, vector<16xi32>,
      tpu.vector_store %arg11[%swap3A], %add3A_513 {strides = array<i32>} : memref<8192xi32, #tpu.memory_space<vmem>>, vector<16xi32>,
      %mul3A_515 = arith.constant 16 : i32
      %mul3A_516 = arith.muli %scan3A_501, %mul3A_515 : i32
      %get3A_517 = arith.index_cast %mul3A_516 : i32 to index
      %get3A_518 = tpu.vector_load %arg9[%get3A_517] {strides = array<i32>} : memref<4096xi32, #tpu.memory_space<vmem>>, vector<16xi32>,
      %add3A_519 = vector.broadcast %mul3A_136 : i32 to vector<16xi32>
      %add3A_520 = arith.addi %get3A_518, %add3A_519 : vector<16xi32>
      %add3A_521 = arith.constant 128 : i32
      %add3A_522 = arith.addi %add3A_508, %add3A_521 : i32
      %swap3A_523 = arith.index_cast %add3A_522 : i32 to index
      %swap3A_524 = tpu.vector_load %arg11[%swap3A_523] {strides = array<i32>} : memref<8192xi32, #tpu.memory_space<vmem>>, vector<16xi32>,
      tpu.vector_store %arg11[%swap3A_523], %add3A_520 {strides = array<i32>} : memref<8192xi32, #tpu.memory_space<vmem>>, vector<16xi32>,
    }
    %scan3A_166 = arith.constant 64 : i32
    %dma_start3A_167 = arith.constant 4096 : i32
    %dma_start3A_168 = tpu.memref_slice %arg13[%dma_start3A_167] : memref<8192xf32, #tpu.memory_space<vmem>> -> memref<2048xf32, #tpu.memory_space<vmem>>
    %dma_start3A_169 = arith.constant 4096 : i32
    %dma_start3A_170 = tpu.memref_slice %arg11[%dma_start3A_169] : memref<8192xi32, #tpu.memory_space<vmem>> -> memref<2048xi32, #tpu.memory_space<vmem>>
    %dma_start3A_171 = arith.constant 0 : i32
    %dma_start3A_172 = tpu.memref_slice %arg2[%dma_start3A_171] : memref<16777216xf32, #tpu.memory_space<hbm>> -> memref<16777216xf32, #tpu.memory_space<hbm>>
    tpu.enqueue_indirect_dma source(%dma_start3A_172 : memref<16777216xf32, #tpu.memory_space<hbm>>) target(%dma_start3A_168 : memref<2048xf32, #tpu.memory_space<vmem>>) offsets(%dma_start3A_170 : memref<2048xi32, #tpu.memory_space<vmem>>) semaphore(%arg16 : memref<!tpu.dma_semaphore, #tpu.memory_space<semaphore_mem>>)
    %scan3A_173 = arith.constant 0 : i32
    %scan3A_174 = arith.constant 192 : i32
    %scan3A_175 = arith.constant 64 : i32
    %scan3A_176 = arith.addi %scan3A_174, %scan3A_175 : i32
    %scan3A_177 = arith.constant 1 : i32
    scf.for %scan3A_501 = %scan3A_174 to %scan3A_176 step %scan3A_177  : i32 {
      %shift_right_logical3A = arith.constant 3 : i32
      %shift_right_logical3A_502 = arith.shrui %scan3A_501, %shift_right_logical3A : i32
      %mul3A_503 = arith.constant 256 : i32
      %mul3A_504 = arith.muli %shift_right_logical3A_502, %mul3A_503 : i32
      %and3A = arith.constant 7 : i32
      %and3A_505 = arith.andi %scan3A_501, %and3A : i32
      %mul3A_506 = arith.constant 16 : i32
      %mul3A_507 = arith.muli %and3A_505, %mul3A_506 : i32
      %add3A_508 = arith.addi %mul3A_504, %mul3A_507 : i32
      %mul3A_509 = arith.constant 16 : i32
      %mul3A_510 = arith.muli %scan3A_501, %mul3A_509 : i32
      %get3A = arith.index_cast %mul3A_510 : i32 to index
      %get3A_511 = tpu.vector_load %arg7[%get3A] {strides = array<i32>} : memref<4096xi32, #tpu.memory_space<vmem>>, vector<16xi32>,
      %add3A_512 = vector.broadcast %mul3A_136 : i32 to vector<16xi32>
      %add3A_513 = arith.addi %get3A_511, %add3A_512 : vector<16xi32>
      %swap3A = arith.index_cast %add3A_508 : i32 to index
      %swap3A_514 = tpu.vector_load %arg11[%swap3A] {strides = array<i32>} : memref<8192xi32, #tpu.memory_space<vmem>>, vector<16xi32>,
      tpu.vector_store %arg11[%swap3A], %add3A_513 {strides = array<i32>} : memref<8192xi32, #tpu.memory_space<vmem>>, vector<16xi32>,
      %mul3A_515 = arith.constant 16 : i32
      %mul3A_516 = arith.muli %scan3A_501, %mul3A_515 : i32
      %get3A_517 = arith.index_cast %mul3A_516 : i32 to index
      %get3A_518 = tpu.vector_load %arg9[%get3A_517] {strides = array<i32>} : memref<4096xi32, #tpu.memory_space<vmem>>, vector<16xi32>,
      %add3A_519 = vector.broadcast %mul3A_136 : i32 to vector<16xi32>
      %add3A_520 = arith.addi %get3A_518, %add3A_519 : vector<16xi32>
      %add3A_521 = arith.constant 128 : i32
      %add3A_522 = arith.addi %add3A_508, %add3A_521 : i32
      %swap3A_523 = arith.index_cast %add3A_522 : i32 to index
      %swap3A_524 = tpu.vector_load %arg11[%swap3A_523] {strides = array<i32>} : memref<8192xi32, #tpu.memory_space<vmem>>, vector<16xi32>,
      tpu.vector_store %arg11[%swap3A_523], %add3A_520 {strides = array<i32>} : memref<8192xi32, #tpu.memory_space<vmem>>, vector<16xi32>,
    }
    %scan3A_178 = arith.constant 64 : i32
    %dma_start3A_179 = arith.constant 6144 : i32
    %dma_start3A_180 = tpu.memref_slice %arg13[%dma_start3A_179] : memref<8192xf32, #tpu.memory_space<vmem>> -> memref<2048xf32, #tpu.memory_space<vmem>>
    %dma_start3A_181 = arith.constant 6144 : i32
    %dma_start3A_182 = tpu.memref_slice %arg11[%dma_start3A_181] : memref<8192xi32, #tpu.memory_space<vmem>> -> memref<2048xi32, #tpu.memory_space<vmem>>
    %dma_start3A_183 = arith.constant 0 : i32
    %dma_start3A_184 = tpu.memref_slice %arg2[%dma_start3A_183] : memref<16777216xf32, #tpu.memory_space<hbm>> -> memref<16777216xf32, #tpu.memory_space<hbm>>
    tpu.enqueue_indirect_dma source(%dma_start3A_184 : memref<16777216xf32, #tpu.memory_space<hbm>>) target(%dma_start3A_180 : memref<2048xf32, #tpu.memory_space<vmem>>) offsets(%dma_start3A_182 : memref<2048xi32, #tpu.memory_space<vmem>>) semaphore(%arg16 : memref<!tpu.dma_semaphore, #tpu.memory_space<semaphore_mem>>)
    %dma_wait3A_185 = arith.constant 0 : i32
    %dma_wait3A_186 = tpu.memref_slice %arg12[%dma_wait3A_185] : memref<8192xf32, #tpu.memory_space<vmem>> -> memref<2048xf32, #tpu.memory_space<vmem>>
    %dma_wait3A_187 = arith.constant 0 : i32
    %dma_wait3A_188 = tpu.memref_slice %arg10[%dma_wait3A_187] : memref<8192xi32, #tpu.memory_space<vmem>> -> memref<2048xi32, #tpu.memory_space<vmem>>
    %dma_wait3A_189 = arith.constant 0 : i32
    %dma_wait3A_190 = tpu.memref_slice %arg2[%dma_wait3A_189] : memref<16777216xf32, #tpu.memory_space<hbm>> -> memref<16777216xf32, #tpu.memory_space<hbm>>
    tpu.wait_indirect_dma semaphore(%arg15 : memref<!tpu.dma_semaphore, #tpu.memory_space<semaphore_mem>>) src(%dma_wait3A_190 : memref<16777216xf32, #tpu.memory_space<hbm>>) dst(%dma_wait3A_186 : memref<2048xf32, #tpu.memory_space<vmem>>)
    %dma_wait3A_191 = arith.constant 2048 : i32
    %dma_wait3A_192 = tpu.memref_slice %arg12[%dma_wait3A_191] : memref<8192xf32, #tpu.memory_space<vmem>> -> memref<2048xf32, #tpu.memory_space<vmem>>
    %dma_wait3A_193 = arith.constant 2048 : i32
    %dma_wait3A_194 = tpu.memref_slice %arg10[%dma_wait3A_193] : memref<8192xi32, #tpu.memory_space<vmem>> -> memref<2048xi32, #tpu.memory_space<vmem>>
    %dma_wait3A_195 = arith.constant 0 : i32
    %dma_wait3A_196 = tpu.memref_slice %arg2[%dma_wait3A_195] : memref<16777216xf32, #tpu.memory_space<hbm>> -> memref<16777216xf32, #tpu.memory_space<hbm>>
    tpu.wait_indirect_dma semaphore(%arg15 : memref<!tpu.dma_semaphore, #tpu.memory_space<semaphore_mem>>) src(%dma_wait3A_196 : memref<16777216xf32, #tpu.memory_space<hbm>>) dst(%dma_wait3A_192 : memref<2048xf32, #tpu.memory_space<vmem>>)
    %dma_wait3A_197 = arith.constant 4096 : i32
    %dma_wait3A_198 = tpu.memref_slice %arg12[%dma_wait3A_197] : memref<8192xf32, #tpu.memory_space<vmem>> -> memref<2048xf32, #tpu.memory_space<vmem>>
    %dma_wait3A_199 = arith.constant 4096 : i32
    %dma_wait3A_200 = tpu.memref_slice %arg10[%dma_wait3A_199] : memref<8192xi32, #tpu.memory_space<vmem>> -> memref<2048xi32, #tpu.memory_space<vmem>>
    %dma_wait3A_201 = arith.constant 0 : i32
    %dma_wait3A_202 = tpu.memref_slice %arg2[%dma_wait3A_201] : memref<16777216xf32, #tpu.memory_space<hbm>> -> memref<16777216xf32, #tpu.memory_space<hbm>>
    tpu.wait_indirect_dma semaphore(%arg15 : memref<!tpu.dma_semaphore, #tpu.memory_space<semaphore_mem>>) src(%dma_wait3A_202 : memref<16777216xf32, #tpu.memory_space<hbm>>) dst(%dma_wait3A_198 : memref<2048xf32, #tpu.memory_space<vmem>>)
    %dma_wait3A_203 = arith.constant 6144 : i32
    %dma_wait3A_204 = tpu.memref_slice %arg12[%dma_wait3A_203] : memref<8192xf32, #tpu.memory_space<vmem>> -> memref<2048xf32, #tpu.memory_space<vmem>>
    %dma_wait3A_205 = arith.constant 6144 : i32
    %dma_wait3A_206 = tpu.memref_slice %arg10[%dma_wait3A_205] : memref<8192xi32, #tpu.memory_space<vmem>> -> memref<2048xi32, #tpu.memory_space<vmem>>
    %dma_wait3A_207 = arith.constant 0 : i32
    %dma_wait3A_208 = tpu.memref_slice %arg2[%dma_wait3A_207] : memref<16777216xf32, #tpu.memory_space<hbm>> -> memref<16777216xf32, #tpu.memory_space<hbm>>
    tpu.wait_indirect_dma semaphore(%arg15 : memref<!tpu.dma_semaphore, #tpu.memory_space<semaphore_mem>>) src(%dma_wait3A_208 : memref<16777216xf32, #tpu.memory_space<hbm>>) dst(%dma_wait3A_204 : memref<2048xf32, #tpu.memory_space<vmem>>)
    %mul3A_209 = arith.constant 4 : i32
    %mul3A_210 = arith.muli %add3A, %mul3A_209 : i32
    %add3A_211 = arith.constant 0 : i32
    %add3A_212 = arith.addi %mul3A_210, %add3A_211 : i32
    %mul3A_213 = arith.constant 8192 : i32
    %mul3A_214 = arith.muli %add3A_212, %mul3A_213 : i32
    %dma_start3A_215 = tpu.memref_slice %arg5[%mul3A_214] : memref<1048576xf32, #tpu.memory_space<hbm>> -> memref<8192xf32, #tpu.memory_space<hbm>>
    %dma_start3A_216 = tpu.memref_slice %arg5[%mul3A_214] : memref<1048576xf32, #tpu.memory_space<hbm>> -> memref<8192xf32, #tpu.memory_space<hbm>>
    tpu.enqueue_dma source(%arg12 : memref<8192xf32, #tpu.memory_space<vmem>>) target(%dma_start3A_216 : memref<8192xf32, #tpu.memory_space<hbm>>) target_semaphore(%arg17 : memref<!tpu.dma_semaphore, #tpu.memory_space<semaphore_mem>>)
    %dma_wait3A_217 = arith.constant 0 : i32
    %dma_wait3A_218 = arith.constant 0 : i32
    %dma_wait3A_219 = tpu.memref_slice %arg3[%dma_wait3A_217, %dma_wait3A_218] : memref<128x4096xi32, #tpu.memory_space<hbm>> -> memref<1x4096xi32, #tpu.memory_space<hbm>>
    %dma_wait3A_220 = tpu.memref_squeeze %dma_wait3A_219 : memref<1x4096xi32, #tpu.memory_space<hbm>> -> memref<4096xi32, #tpu.memory_space<hbm>>
    %dma_wait3A_221 = arith.constant 0 : i32
    %dma_wait3A_222 = tpu.memref_slice %arg3[%dma_wait3A_217, %dma_wait3A_221] : memref<128x4096xi32, #tpu.memory_space<hbm>> -> memref<1x4096xi32, #tpu.memory_space<hbm>>
    %dma_wait3A_223 = tpu.memref_squeeze %dma_wait3A_222 : memref<1x4096xi32, #tpu.memory_space<hbm>> -> memref<4096xi32, #tpu.memory_space<hbm>>
    tpu.wait_dma2 semaphore(%arg14 : memref<!tpu.dma_semaphore, #tpu.memory_space<semaphore_mem>>) src(%dma_wait3A_223 : memref<4096xi32, #tpu.memory_space<hbm>>) dst(%arg6 : memref<4096xi32, #tpu.memory_space<vmem>>)
    %dma_wait3A_224 = arith.constant 0 : i32
    %dma_wait3A_225 = arith.constant 0 : i32
    %dma_wait3A_226 = tpu.memref_slice %arg4[%dma_wait3A_224, %dma_wait3A_225] : memref<128x4096xi32, #tpu.memory_space<hbm>> -> memref<1x4096xi32, #tpu.memory_space<hbm>>
    %dma_wait3A_227 = tpu.memref_squeeze %dma_wait3A_226 : memref<1x4096xi32, #tpu.memory_space<hbm>> -> memref<4096xi32, #tpu.memory_space<hbm>>
    %dma_wait3A_228 = arith.constant 0 : i32
    %dma_wait3A_229 = tpu.memref_slice %arg4[%dma_wait3A_224, %dma_wait3A_228] : memref<128x4096xi32, #tpu.memory_space<hbm>> -> memref<1x4096xi32, #tpu.memory_space<hbm>>
    %dma_wait3A_230 = tpu.memref_squeeze %dma_wait3A_229 : memref<1x4096xi32, #tpu.memory_space<hbm>> -> memref<4096xi32, #tpu.memory_space<hbm>>
    tpu.wait_dma2 semaphore(%arg14 : memref<!tpu.dma_semaphore, #tpu.memory_space<semaphore_mem>>) src(%dma_wait3A_230 : memref<4096xi32, #tpu.memory_space<hbm>>) dst(%arg8 : memref<4096xi32, #tpu.memory_space<vmem>>)
    %mul3A_231 = arith.constant 4 : i32
    %mul3A_232 = arith.muli %add3A, %mul3A_231 : i32
    %add3A_233 = arith.constant 3 : i32
    %add3A_234 = arith.addi %mul3A_232, %add3A_233 : i32
    %dma_start3A_235 = arith.constant 0 : i32
    %dma_start3A_236 = tpu.memref_slice %arg3[%add3A_234, %dma_start3A_235] : memref<128x4096xi32, #tpu.memory_space<hbm>> -> memref<1x4096xi32, #tpu.memory_space<hbm>>
    %dma_start3A_237 = tpu.memref_squeeze %dma_start3A_236 : memref<1x4096xi32, #tpu.memory_space<hbm>> -> memref<4096xi32, #tpu.memory_space<hbm>>
    %dma_start3A_238 = arith.constant 0 : i32
    %dma_start3A_239 = tpu.memref_slice %arg3[%add3A_234, %dma_start3A_238] : memref<128x4096xi32, #tpu.memory_space<hbm>> -> memref<1x4096xi32, #tpu.memory_space<hbm>>
    %dma_start3A_240 = tpu.memref_squeeze %dma_start3A_239 : memref<1x4096xi32, #tpu.memory_space<hbm>> -> memref<4096xi32, #tpu.memory_space<hbm>>
    tpu.enqueue_dma source(%dma_start3A_240 : memref<4096xi32, #tpu.memory_space<hbm>>) target(%arg7 : memref<4096xi32, #tpu.memory_space<vmem>>) target_semaphore(%arg14 : memref<!tpu.dma_semaphore, #tpu.memory_space<semaphore_mem>>)
    %dma_start3A_241 = arith.constant 0 : i32
    %dma_start3A_242 = tpu.memref_slice %arg4[%add3A_234, %dma_start3A_241] : memref<128x4096xi32, #tpu.memory_space<hbm>> -> memref<1x4096xi32, #tpu.memory_space<hbm>>
    %dma_start3A_243 = tpu.memref_squeeze %dma_start3A_242 : memref<1x4096xi32, #tpu.memory_space<hbm>> -> memref<4096xi32, #tpu.memory_space<hbm>>
    %dma_start3A_244 = arith.constant 0 : i32
    %dma_start3A_245 = tpu.memref_slice %arg4[%add3A_234, %dma_start3A_244] : memref<128x4096xi32, #tpu.memory_space<hbm>> -> memref<1x4096xi32, #tpu.memory_space<hbm>>
    %dma_start3A_246 = tpu.memref_squeeze %dma_start3A_245 : memref<1x4096xi32, #tpu.memory_space<hbm>> -> memref<4096xi32, #tpu.memory_space<hbm>>
    tpu.enqueue_dma source(%dma_start3A_246 : memref<4096xi32, #tpu.memory_space<hbm>>) target(%arg9 : memref<4096xi32, #tpu.memory_space<vmem>>) target_semaphore(%arg14 : memref<!tpu.dma_semaphore, #tpu.memory_space<semaphore_mem>>)
    %mul3A_247 = arith.constant 4 : i32
    %mul3A_248 = arith.muli %add3A, %mul3A_247 : i32
    %add3A_249 = arith.constant 0 : i32
    %add3A_250 = arith.addi %mul3A_248, %add3A_249 : i32
    %mul3A_251 = arith.constant 8192 : i32
    %mul3A_252 = arith.muli %add3A_250, %mul3A_251 : i32
    %dma_wait3A_253 = tpu.memref_slice %arg5[%mul3A_252] : memref<1048576xf32, #tpu.memory_space<hbm>> -> memref<8192xf32, #tpu.memory_space<hbm>>
    %dma_wait3A_254 = tpu.memref_slice %arg5[%mul3A_252] : memref<1048576xf32, #tpu.memory_space<hbm>> -> memref<8192xf32, #tpu.memory_space<hbm>>
    tpu.wait_dma2 semaphore(%arg17 : memref<!tpu.dma_semaphore, #tpu.memory_space<semaphore_mem>>) src(%arg12 : memref<8192xf32, #tpu.memory_space<vmem>>) dst(%dma_wait3A_254 : memref<8192xf32, #tpu.memory_space<hbm>>)
    %mul3A_255 = arith.constant 4 : i32
    %mul3A_256 = arith.muli %add3A, %mul3A_255 : i32
    %add3A_257 = arith.constant 2 : i32
    %add3A_258 = arith.addi %mul3A_256, %add3A_257 : i32
    %rem3A_259 = arith.constant 64 : i32
    %rem3A_260 = arith.remsi %add3A_258, %rem3A_259 : i32
    %mul3A_261 = arith.constant 262144 : i32
    %mul3A_262 = arith.muli %rem3A_260, %mul3A_261 : i32
    %scan3A_263 = arith.constant 0 : i32
    %scan3A_264 = arith.constant 0 : i32
    %scan3A_265 = arith.constant 64 : i32
    %scan3A_266 = arith.addi %scan3A_264, %scan3A_265 : i32
    %scan3A_267 = arith.constant 1 : i32
    scf.for %scan3A_501 = %scan3A_264 to %scan3A_266 step %scan3A_267  : i32 {
      %shift_right_logical3A = arith.constant 3 : i32
      %shift_right_logical3A_502 = arith.shrui %scan3A_501, %shift_right_logical3A : i32
      %mul3A_503 = arith.constant 256 : i32
      %mul3A_504 = arith.muli %shift_right_logical3A_502, %mul3A_503 : i32
      %and3A = arith.constant 7 : i32
      %and3A_505 = arith.andi %scan3A_501, %and3A : i32
      %mul3A_506 = arith.constant 16 : i32
      %mul3A_507 = arith.muli %and3A_505, %mul3A_506 : i32
      %add3A_508 = arith.addi %mul3A_504, %mul3A_507 : i32
      %mul3A_509 = arith.constant 16 : i32
      %mul3A_510 = arith.muli %scan3A_501, %mul3A_509 : i32
      %get3A = arith.index_cast %mul3A_510 : i32 to index
      %get3A_511 = tpu.vector_load %arg6[%get3A] {strides = array<i32>} : memref<4096xi32, #tpu.memory_space<vmem>>, vector<16xi32>,
      %add3A_512 = vector.broadcast %mul3A_262 : i32 to vector<16xi32>
      %add3A_513 = arith.addi %get3A_511, %add3A_512 : vector<16xi32>
      %swap3A = arith.index_cast %add3A_508 : i32 to index
      %swap3A_514 = tpu.vector_load %arg10[%swap3A] {strides = array<i32>} : memref<8192xi32, #tpu.memory_space<vmem>>, vector<16xi32>,
      tpu.vector_store %arg10[%swap3A], %add3A_513 {strides = array<i32>} : memref<8192xi32, #tpu.memory_space<vmem>>, vector<16xi32>,
      %mul3A_515 = arith.constant 16 : i32
      %mul3A_516 = arith.muli %scan3A_501, %mul3A_515 : i32
      %get3A_517 = arith.index_cast %mul3A_516 : i32 to index
      %get3A_518 = tpu.vector_load %arg8[%get3A_517] {strides = array<i32>} : memref<4096xi32, #tpu.memory_space<vmem>>, vector<16xi32>,
      %add3A_519 = vector.broadcast %mul3A_262 : i32 to vector<16xi32>
      %add3A_520 = arith.addi %get3A_518, %add3A_519 : vector<16xi32>
      %add3A_521 = arith.constant 128 : i32
      %add3A_522 = arith.addi %add3A_508, %add3A_521 : i32
      %swap3A_523 = arith.index_cast %add3A_522 : i32 to index
      %swap3A_524 = tpu.vector_load %arg10[%swap3A_523] {strides = array<i32>} : memref<8192xi32, #tpu.memory_space<vmem>>, vector<16xi32>,
      tpu.vector_store %arg10[%swap3A_523], %add3A_520 {strides = array<i32>} : memref<8192xi32, #tpu.memory_space<vmem>>, vector<16xi32>,
    }
    %scan3A_268 = arith.constant 64 : i32
    %dma_start3A_269 = arith.constant 0 : i32
    %dma_start3A_270 = tpu.memref_slice %arg12[%dma_start3A_269] : memref<8192xf32, #tpu.memory_space<vmem>> -> memref<2048xf32, #tpu.memory_space<vmem>>
    %dma_start3A_271 = arith.constant 0 : i32
    %dma_start3A_272 = tpu.memref_slice %arg10[%dma_start3A_271] : memref<8192xi32, #tpu.memory_space<vmem>> -> memref<2048xi32, #tpu.memory_space<vmem>>
    %dma_start3A_273 = arith.constant 0 : i32
    %dma_start3A_274 = tpu.memref_slice %arg2[%dma_start3A_273] : memref<16777216xf32, #tpu.memory_space<hbm>> -> memref<16777216xf32, #tpu.memory_space<hbm>>
    tpu.enqueue_indirect_dma source(%dma_start3A_274 : memref<16777216xf32, #tpu.memory_space<hbm>>) target(%dma_start3A_270 : memref<2048xf32, #tpu.memory_space<vmem>>) offsets(%dma_start3A_272 : memref<2048xi32, #tpu.memory_space<vmem>>) semaphore(%arg15 : memref<!tpu.dma_semaphore, #tpu.memory_space<semaphore_mem>>)
    %scan3A_275 = arith.constant 0 : i32
    %scan3A_276 = arith.constant 64 : i32
    %scan3A_277 = arith.constant 64 : i32
    %scan3A_278 = arith.addi %scan3A_276, %scan3A_277 : i32
    %scan3A_279 = arith.constant 1 : i32
    scf.for %scan3A_501 = %scan3A_276 to %scan3A_278 step %scan3A_279  : i32 {
      %shift_right_logical3A = arith.constant 3 : i32
      %shift_right_logical3A_502 = arith.shrui %scan3A_501, %shift_right_logical3A : i32
      %mul3A_503 = arith.constant 256 : i32
      %mul3A_504 = arith.muli %shift_right_logical3A_502, %mul3A_503 : i32
      %and3A = arith.constant 7 : i32
      %and3A_505 = arith.andi %scan3A_501, %and3A : i32
      %mul3A_506 = arith.constant 16 : i32
      %mul3A_507 = arith.muli %and3A_505, %mul3A_506 : i32
      %add3A_508 = arith.addi %mul3A_504, %mul3A_507 : i32
      %mul3A_509 = arith.constant 16 : i32
      %mul3A_510 = arith.muli %scan3A_501, %mul3A_509 : i32
      %get3A = arith.index_cast %mul3A_510 : i32 to index
      %get3A_511 = tpu.vector_load %arg6[%get3A] {strides = array<i32>} : memref<4096xi32, #tpu.memory_space<vmem>>, vector<16xi32>,
      %add3A_512 = vector.broadcast %mul3A_262 : i32 to vector<16xi32>
      %add3A_513 = arith.addi %get3A_511, %add3A_512 : vector<16xi32>
      %swap3A = arith.index_cast %add3A_508 : i32 to index
      %swap3A_514 = tpu.vector_load %arg10[%swap3A] {strides = array<i32>} : memref<8192xi32, #tpu.memory_space<vmem>>, vector<16xi32>,
      tpu.vector_store %arg10[%swap3A], %add3A_513 {strides = array<i32>} : memref<8192xi32, #tpu.memory_space<vmem>>, vector<16xi32>,
      %mul3A_515 = arith.constant 16 : i32
      %mul3A_516 = arith.muli %scan3A_501, %mul3A_515 : i32
      %get3A_517 = arith.index_cast %mul3A_516 : i32 to index
      %get3A_518 = tpu.vector_load %arg8[%get3A_517] {strides = array<i32>} : memref<4096xi32, #tpu.memory_space<vmem>>, vector<16xi32>,
      %add3A_519 = vector.broadcast %mul3A_262 : i32 to vector<16xi32>
      %add3A_520 = arith.addi %get3A_518, %add3A_519 : vector<16xi32>
      %add3A_521 = arith.constant 128 : i32
      %add3A_522 = arith.addi %add3A_508, %add3A_521 : i32
      %swap3A_523 = arith.index_cast %add3A_522 : i32 to index
      %swap3A_524 = tpu.vector_load %arg10[%swap3A_523] {strides = array<i32>} : memref<8192xi32, #tpu.memory_space<vmem>>, vector<16xi32>,
      tpu.vector_store %arg10[%swap3A_523], %add3A_520 {strides = array<i32>} : memref<8192xi32, #tpu.memory_space<vmem>>, vector<16xi32>,
    }
    %scan3A_280 = arith.constant 64 : i32
    %dma_start3A_281 = arith.constant 2048 : i32
    %dma_start3A_282 = tpu.memref_slice %arg12[%dma_start3A_281] : memref<8192xf32, #tpu.memory_space<vmem>> -> memref<2048xf32, #tpu.memory_space<vmem>>
    %dma_start3A_283 = arith.constant 2048 : i32
    %dma_start3A_284 = tpu.memref_slice %arg10[%dma_start3A_283] : memref<8192xi32, #tpu.memory_space<vmem>> -> memref<2048xi32, #tpu.memory_space<vmem>>
    %dma_start3A_285 = arith.constant 0 : i32
    %dma_start3A_286 = tpu.memref_slice %arg2[%dma_start3A_285] : memref<16777216xf32, #tpu.memory_space<hbm>> -> memref<16777216xf32, #tpu.memory_space<hbm>>
    tpu.enqueue_indirect_dma source(%dma_start3A_286 : memref<16777216xf32, #tpu.memory_space<hbm>>) target(%dma_start3A_282 : memref<2048xf32, #tpu.memory_space<vmem>>) offsets(%dma_start3A_284 : memref<2048xi32, #tpu.memory_space<vmem>>) semaphore(%arg15 : memref<!tpu.dma_semaphore, #tpu.memory_space<semaphore_mem>>)
    %scan3A_287 = arith.constant 0 : i32
    %scan3A_288 = arith.constant 128 : i32
    %scan3A_289 = arith.constant 64 : i32
    %scan3A_290 = arith.addi %scan3A_288, %scan3A_289 : i32
    %scan3A_291 = arith.constant 1 : i32
    scf.for %scan3A_501 = %scan3A_288 to %scan3A_290 step %scan3A_291  : i32 {
      %shift_right_logical3A = arith.constant 3 : i32
      %shift_right_logical3A_502 = arith.shrui %scan3A_501, %shift_right_logical3A : i32
      %mul3A_503 = arith.constant 256 : i32
      %mul3A_504 = arith.muli %shift_right_logical3A_502, %mul3A_503 : i32
      %and3A = arith.constant 7 : i32
      %and3A_505 = arith.andi %scan3A_501, %and3A : i32
      %mul3A_506 = arith.constant 16 : i32
      %mul3A_507 = arith.muli %and3A_505, %mul3A_506 : i32
      %add3A_508 = arith.addi %mul3A_504, %mul3A_507 : i32
      %mul3A_509 = arith.constant 16 : i32
      %mul3A_510 = arith.muli %scan3A_501, %mul3A_509 : i32
      %get3A = arith.index_cast %mul3A_510 : i32 to index
      %get3A_511 = tpu.vector_load %arg6[%get3A] {strides = array<i32>} : memref<4096xi32, #tpu.memory_space<vmem>>, vector<16xi32>,
      %add3A_512 = vector.broadcast %mul3A_262 : i32 to vector<16xi32>
      %add3A_513 = arith.addi %get3A_511, %add3A_512 : vector<16xi32>
      %swap3A = arith.index_cast %add3A_508 : i32 to index
      %swap3A_514 = tpu.vector_load %arg10[%swap3A] {strides = array<i32>} : memref<8192xi32, #tpu.memory_space<vmem>>, vector<16xi32>,
      tpu.vector_store %arg10[%swap3A], %add3A_513 {strides = array<i32>} : memref<8192xi32, #tpu.memory_space<vmem>>, vector<16xi32>,
      %mul3A_515 = arith.constant 16 : i32
      %mul3A_516 = arith.muli %scan3A_501, %mul3A_515 : i32
      %get3A_517 = arith.index_cast %mul3A_516 : i32 to index
      %get3A_518 = tpu.vector_load %arg8[%get3A_517] {strides = array<i32>} : memref<4096xi32, #tpu.memory_space<vmem>>, vector<16xi32>,
      %add3A_519 = vector.broadcast %mul3A_262 : i32 to vector<16xi32>
      %add3A_520 = arith.addi %get3A_518, %add3A_519 : vector<16xi32>
      %add3A_521 = arith.constant 128 : i32
      %add3A_522 = arith.addi %add3A_508, %add3A_521 : i32
      %swap3A_523 = arith.index_cast %add3A_522 : i32 to index
      %swap3A_524 = tpu.vector_load %arg10[%swap3A_523] {strides = array<i32>} : memref<8192xi32, #tpu.memory_space<vmem>>, vector<16xi32>,
      tpu.vector_store %arg10[%swap3A_523], %add3A_520 {strides = array<i32>} : memref<8192xi32, #tpu.memory_space<vmem>>, vector<16xi32>,
    }
    %scan3A_292 = arith.constant 64 : i32
    %dma_start3A_293 = arith.constant 4096 : i32
    %dma_start3A_294 = tpu.memref_slice %arg12[%dma_start3A_293] : memref<8192xf32, #tpu.memory_space<vmem>> -> memref<2048xf32, #tpu.memory_space<vmem>>
    %dma_start3A_295 = arith.constant 4096 : i32
    %dma_start3A_296 = tpu.memref_slice %arg10[%dma_start3A_295] : memref<8192xi32, #tpu.memory_space<vmem>> -> memref<2048xi32, #tpu.memory_space<vmem>>
    %dma_start3A_297 = arith.constant 0 : i32
    %dma_start3A_298 = tpu.memref_slice %arg2[%dma_start3A_297] : memref<16777216xf32, #tpu.memory_space<hbm>> -> memref<16777216xf32, #tpu.memory_space<hbm>>
    tpu.enqueue_indirect_dma source(%dma_start3A_298 : memref<16777216xf32, #tpu.memory_space<hbm>>) target(%dma_start3A_294 : memref<2048xf32, #tpu.memory_space<vmem>>) offsets(%dma_start3A_296 : memref<2048xi32, #tpu.memory_space<vmem>>) semaphore(%arg15 : memref<!tpu.dma_semaphore, #tpu.memory_space<semaphore_mem>>)
    %scan3A_299 = arith.constant 0 : i32
    %scan3A_300 = arith.constant 192 : i32
    %scan3A_301 = arith.constant 64 : i32
    %scan3A_302 = arith.addi %scan3A_300, %scan3A_301 : i32
    %scan3A_303 = arith.constant 1 : i32
    scf.for %scan3A_501 = %scan3A_300 to %scan3A_302 step %scan3A_303  : i32 {
      %shift_right_logical3A = arith.constant 3 : i32
      %shift_right_logical3A_502 = arith.shrui %scan3A_501, %shift_right_logical3A : i32
      %mul3A_503 = arith.constant 256 : i32
      %mul3A_504 = arith.muli %shift_right_logical3A_502, %mul3A_503 : i32
      %and3A = arith.constant 7 : i32
      %and3A_505 = arith.andi %scan3A_501, %and3A : i32
      %mul3A_506 = arith.constant 16 : i32
      %mul3A_507 = arith.muli %and3A_505, %mul3A_506 : i32
      %add3A_508 = arith.addi %mul3A_504, %mul3A_507 : i32
      %mul3A_509 = arith.constant 16 : i32
      %mul3A_510 = arith.muli %scan3A_501, %mul3A_509 : i32
      %get3A = arith.index_cast %mul3A_510 : i32 to index
      %get3A_511 = tpu.vector_load %arg6[%get3A] {strides = array<i32>} : memref<4096xi32, #tpu.memory_space<vmem>>, vector<16xi32>,
      %add3A_512 = vector.broadcast %mul3A_262 : i32 to vector<16xi32>
      %add3A_513 = arith.addi %get3A_511, %add3A_512 : vector<16xi32>
      %swap3A = arith.index_cast %add3A_508 : i32 to index
      %swap3A_514 = tpu.vector_load %arg10[%swap3A] {strides = array<i32>} : memref<8192xi32, #tpu.memory_space<vmem>>, vector<16xi32>,
      tpu.vector_store %arg10[%swap3A], %add3A_513 {strides = array<i32>} : memref<8192xi32, #tpu.memory_space<vmem>>, vector<16xi32>,
      %mul3A_515 = arith.constant 16 : i32
      %mul3A_516 = arith.muli %scan3A_501, %mul3A_515 : i32
      %get3A_517 = arith.index_cast %mul3A_516 : i32 to index
      %get3A_518 = tpu.vector_load %arg8[%get3A_517] {strides = array<i32>} : memref<4096xi32, #tpu.memory_space<vmem>>, vector<16xi32>,
      %add3A_519 = vector.broadcast %mul3A_262 : i32 to vector<16xi32>
      %add3A_520 = arith.addi %get3A_518, %add3A_519 : vector<16xi32>
      %add3A_521 = arith.constant 128 : i32
      %add3A_522 = arith.addi %add3A_508, %add3A_521 : i32
      %swap3A_523 = arith.index_cast %add3A_522 : i32 to index
      %swap3A_524 = tpu.vector_load %arg10[%swap3A_523] {strides = array<i32>} : memref<8192xi32, #tpu.memory_space<vmem>>, vector<16xi32>,
      tpu.vector_store %arg10[%swap3A_523], %add3A_520 {strides = array<i32>} : memref<8192xi32, #tpu.memory_space<vmem>>, vector<16xi32>,
    }
    %scan3A_304 = arith.constant 64 : i32
    %dma_start3A_305 = arith.constant 6144 : i32
    %dma_start3A_306 = tpu.memref_slice %arg12[%dma_start3A_305] : memref<8192xf32, #tpu.memory_space<vmem>> -> memref<2048xf32, #tpu.memory_space<vmem>>
    %dma_start3A_307 = arith.constant 6144 : i32
    %dma_start3A_308 = tpu.memref_slice %arg10[%dma_start3A_307] : memref<8192xi32, #tpu.memory_space<vmem>> -> memref<2048xi32, #tpu.memory_space<vmem>>
    %dma_start3A_309 = arith.constant 0 : i32
    %dma_start3A_310 = tpu.memref_slice %arg2[%dma_start3A_309] : memref<16777216xf32, #tpu.memory_space<hbm>> -> memref<16777216xf32, #tpu.memory_space<hbm>>
    tpu.enqueue_indirect_dma source(%dma_start3A_310 : memref<16777216xf32, #tpu.memory_space<hbm>>) target(%dma_start3A_306 : memref<2048xf32, #tpu.memory_space<vmem>>) offsets(%dma_start3A_308 : memref<2048xi32, #tpu.memory_space<vmem>>) semaphore(%arg15 : memref<!tpu.dma_semaphore, #tpu.memory_space<semaphore_mem>>)
    %dma_wait3A_311 = arith.constant 0 : i32
    %dma_wait3A_312 = tpu.memref_slice %arg13[%dma_wait3A_311] : memref<8192xf32, #tpu.memory_space<vmem>> -> memref<2048xf32, #tpu.memory_space<vmem>>
    %dma_wait3A_313 = arith.constant 0 : i32
    %dma_wait3A_314 = tpu.memref_slice %arg11[%dma_wait3A_313] : memref<8192xi32, #tpu.memory_space<vmem>> -> memref<2048xi32, #tpu.memory_space<vmem>>
    %dma_wait3A_315 = arith.constant 0 : i32
    %dma_wait3A_316 = tpu.memref_slice %arg2[%dma_wait3A_315] : memref<16777216xf32, #tpu.memory_space<hbm>> -> memref<16777216xf32, #tpu.memory_space<hbm>>
    tpu.wait_indirect_dma semaphore(%arg16 : memref<!tpu.dma_semaphore, #tpu.memory_space<semaphore_mem>>) src(%dma_wait3A_316 : memref<16777216xf32, #tpu.memory_space<hbm>>) dst(%dma_wait3A_312 : memref<2048xf32, #tpu.memory_space<vmem>>)
    %dma_wait3A_317 = arith.constant 2048 : i32
    %dma_wait3A_318 = tpu.memref_slice %arg13[%dma_wait3A_317] : memref<8192xf32, #tpu.memory_space<vmem>> -> memref<2048xf32, #tpu.memory_space<vmem>>
    %dma_wait3A_319 = arith.constant 2048 : i32
    %dma_wait3A_320 = tpu.memref_slice %arg11[%dma_wait3A_319] : memref<8192xi32, #tpu.memory_space<vmem>> -> memref<2048xi32, #tpu.memory_space<vmem>>
    %dma_wait3A_321 = arith.constant 0 : i32
    %dma_wait3A_322 = tpu.memref_slice %arg2[%dma_wait3A_321] : memref<16777216xf32, #tpu.memory_space<hbm>> -> memref<16777216xf32, #tpu.memory_space<hbm>>
    tpu.wait_indirect_dma semaphore(%arg16 : memref<!tpu.dma_semaphore, #tpu.memory_space<semaphore_mem>>) src(%dma_wait3A_322 : memref<16777216xf32, #tpu.memory_space<hbm>>) dst(%dma_wait3A_318 : memref<2048xf32, #tpu.memory_space<vmem>>)
    %dma_wait3A_323 = arith.constant 4096 : i32
    %dma_wait3A_324 = tpu.memref_slice %arg13[%dma_wait3A_323] : memref<8192xf32, #tpu.memory_space<vmem>> -> memref<2048xf32, #tpu.memory_space<vmem>>
    %dma_wait3A_325 = arith.constant 4096 : i32
    %dma_wait3A_326 = tpu.memref_slice %arg11[%dma_wait3A_325] : memref<8192xi32, #tpu.memory_space<vmem>> -> memref<2048xi32, #tpu.memory_space<vmem>>
    %dma_wait3A_327 = arith.constant 0 : i32
    %dma_wait3A_328 = tpu.memref_slice %arg2[%dma_wait3A_327] : memref<16777216xf32, #tpu.memory_space<hbm>> -> memref<16777216xf32, #tpu.memory_space<hbm>>
    tpu.wait_indirect_dma semaphore(%arg16 : memref<!tpu.dma_semaphore, #tpu.memory_space<semaphore_mem>>) src(%dma_wait3A_328 : memref<16777216xf32, #tpu.memory_space<hbm>>) dst(%dma_wait3A_324 : memref<2048xf32, #tpu.memory_space<vmem>>)
    %dma_wait3A_329 = arith.constant 6144 : i32
    %dma_wait3A_330 = tpu.memref_slice %arg13[%dma_wait3A_329] : memref<8192xf32, #tpu.memory_space<vmem>> -> memref<2048xf32, #tpu.memory_space<vmem>>
    %dma_wait3A_331 = arith.constant 6144 : i32
    %dma_wait3A_332 = tpu.memref_slice %arg11[%dma_wait3A_331] : memref<8192xi32, #tpu.memory_space<vmem>> -> memref<2048xi32, #tpu.memory_space<vmem>>
    %dma_wait3A_333 = arith.constant 0 : i32
    %dma_wait3A_334 = tpu.memref_slice %arg2[%dma_wait3A_333] : memref<16777216xf32, #tpu.memory_space<hbm>> -> memref<16777216xf32, #tpu.memory_space<hbm>>
    tpu.wait_indirect_dma semaphore(%arg16 : memref<!tpu.dma_semaphore, #tpu.memory_space<semaphore_mem>>) src(%dma_wait3A_334 : memref<16777216xf32, #tpu.memory_space<hbm>>) dst(%dma_wait3A_330 : memref<2048xf32, #tpu.memory_space<vmem>>)
    %mul3A_335 = arith.constant 4 : i32
    %mul3A_336 = arith.muli %add3A, %mul3A_335 : i32
    %add3A_337 = arith.constant 1 : i32
    %add3A_338 = arith.addi %mul3A_336, %add3A_337 : i32
    %mul3A_339 = arith.constant 8192 : i32
    %mul3A_340 = arith.muli %add3A_338, %mul3A_339 : i32
    %dma_start3A_341 = tpu.memref_slice %arg5[%mul3A_340] : memref<1048576xf32, #tpu.memory_space<hbm>> -> memref<8192xf32, #tpu.memory_space<hbm>>
    %dma_start3A_342 = tpu.memref_slice %arg5[%mul3A_340] : memref<1048576xf32, #tpu.memory_space<hbm>> -> memref<8192xf32, #tpu.memory_space<hbm>>
    tpu.enqueue_dma source(%arg13 : memref<8192xf32, #tpu.memory_space<vmem>>) target(%dma_start3A_342 : memref<8192xf32, #tpu.memory_space<hbm>>) target_semaphore(%arg17 : memref<!tpu.dma_semaphore, #tpu.memory_space<semaphore_mem>>)
    %dma_wait3A_343 = arith.constant 0 : i32
    %dma_wait3A_344 = arith.constant 0 : i32
    %dma_wait3A_345 = tpu.memref_slice %arg3[%dma_wait3A_343, %dma_wait3A_344] : memref<128x4096xi32, #tpu.memory_space<hbm>> -> memref<1x4096xi32, #tpu.memory_space<hbm>>
    %dma_wait3A_346 = tpu.memref_squeeze %dma_wait3A_345 : memref<1x4096xi32, #tpu.memory_space<hbm>> -> memref<4096xi32, #tpu.memory_space<hbm>>
    %dma_wait3A_347 = arith.constant 0 : i32
    %dma_wait3A_348 = tpu.memref_slice %arg3[%dma_wait3A_343, %dma_wait3A_347] : memref<128x4096xi32, #tpu.memory_space<hbm>> -> memref<1x4096xi32, #tpu.memory_space<hbm>>
    %dma_wait3A_349 = tpu.memref_squeeze %dma_wait3A_348 : memref<1x4096xi32, #tpu.memory_space<hbm>> -> memref<4096xi32, #tpu.memory_space<hbm>>
    tpu.wait_dma2 semaphore(%arg14 : memref<!tpu.dma_semaphore, #tpu.memory_space<semaphore_mem>>) src(%dma_wait3A_349 : memref<4096xi32, #tpu.memory_space<hbm>>) dst(%arg7 : memref<4096xi32, #tpu.memory_space<vmem>>)
    %dma_wait3A_350 = arith.constant 0 : i32
    %dma_wait3A_351 = arith.constant 0 : i32
    %dma_wait3A_352 = tpu.memref_slice %arg4[%dma_wait3A_350, %dma_wait3A_351] : memref<128x4096xi32, #tpu.memory_space<hbm>> -> memref<1x4096xi32, #tpu.memory_space<hbm>>
    %dma_wait3A_353 = tpu.memref_squeeze %dma_wait3A_352 : memref<1x4096xi32, #tpu.memory_space<hbm>> -> memref<4096xi32, #tpu.memory_space<hbm>>
    %dma_wait3A_354 = arith.constant 0 : i32
    %dma_wait3A_355 = tpu.memref_slice %arg4[%dma_wait3A_350, %dma_wait3A_354] : memref<128x4096xi32, #tpu.memory_space<hbm>> -> memref<1x4096xi32, #tpu.memory_space<hbm>>
    %dma_wait3A_356 = tpu.memref_squeeze %dma_wait3A_355 : memref<1x4096xi32, #tpu.memory_space<hbm>> -> memref<4096xi32, #tpu.memory_space<hbm>>
    tpu.wait_dma2 semaphore(%arg14 : memref<!tpu.dma_semaphore, #tpu.memory_space<semaphore_mem>>) src(%dma_wait3A_356 : memref<4096xi32, #tpu.memory_space<hbm>>) dst(%arg9 : memref<4096xi32, #tpu.memory_space<vmem>>)
    %mul3A_357 = arith.constant 4 : i32
    %mul3A_358 = arith.muli %add3A, %mul3A_357 : i32
    %add3A_359 = arith.constant 1 : i32
    %add3A_360 = arith.addi %mul3A_358, %add3A_359 : i32
    %mul3A_361 = arith.constant 8192 : i32
    %mul3A_362 = arith.muli %add3A_360, %mul3A_361 : i32
    %dma_wait3A_363 = tpu.memref_slice %arg5[%mul3A_362] : memref<1048576xf32, #tpu.memory_space<hbm>> -> memref<8192xf32, #tpu.memory_space<hbm>>
    %dma_wait3A_364 = tpu.memref_slice %arg5[%mul3A_362] : memref<1048576xf32, #tpu.memory_space<hbm>> -> memref<8192xf32, #tpu.memory_space<hbm>>
    tpu.wait_dma2 semaphore(%arg17 : memref<!tpu.dma_semaphore, #tpu.memory_space<semaphore_mem>>) src(%arg13 : memref<8192xf32, #tpu.memory_space<vmem>>) dst(%dma_wait3A_364 : memref<8192xf32, #tpu.memory_space<hbm>>)
    %mul3A_365 = arith.constant 4 : i32
    %mul3A_366 = arith.muli %add3A, %mul3A_365 : i32
    %add3A_367 = arith.constant 3 : i32
    %add3A_368 = arith.addi %mul3A_366, %add3A_367 : i32
    %rem3A_369 = arith.constant 64 : i32
    %rem3A_370 = arith.remsi %add3A_368, %rem3A_369 : i32
    %mul3A_371 = arith.constant 262144 : i32
    %mul3A_372 = arith.muli %rem3A_370, %mul3A_371 : i32
    %scan3A_373 = arith.constant 0 : i32
    %scan3A_374 = arith.constant 0 : i32
    %scan3A_375 = arith.constant 64 : i32
    %scan3A_376 = arith.addi %scan3A_374, %scan3A_375 : i32
    %scan3A_377 = arith.constant 1 : i32
    scf.for %scan3A_501 = %scan3A_374 to %scan3A_376 step %scan3A_377  : i32 {
      %shift_right_logical3A = arith.constant 3 : i32
      %shift_right_logical3A_502 = arith.shrui %scan3A_501, %shift_right_logical3A : i32
      %mul3A_503 = arith.constant 256 : i32
      %mul3A_504 = arith.muli %shift_right_logical3A_502, %mul3A_503 : i32
      %and3A = arith.constant 7 : i32
      %and3A_505 = arith.andi %scan3A_501, %and3A : i32
      %mul3A_506 = arith.constant 16 : i32
      %mul3A_507 = arith.muli %and3A_505, %mul3A_506 : i32
      %add3A_508 = arith.addi %mul3A_504, %mul3A_507 : i32
      %mul3A_509 = arith.constant 16 : i32
      %mul3A_510 = arith.muli %scan3A_501, %mul3A_509 : i32
      %get3A = arith.index_cast %mul3A_510 : i32 to index
      %get3A_511 = tpu.vector_load %arg7[%get3A] {strides = array<i32>} : memref<4096xi32, #tpu.memory_space<vmem>>, vector<16xi32>,
      %add3A_512 = vector.broadcast %mul3A_372 : i32 to vector<16xi32>
      %add3A_513 = arith.addi %get3A_511, %add3A_512 : vector<16xi32>
      %swap3A = arith.index_cast %add3A_508 : i32 to index
      %swap3A_514 = tpu.vector_load %arg11[%swap3A] {strides = array<i32>} : memref<8192xi32, #tpu.memory_space<vmem>>, vector<16xi32>,
      tpu.vector_store %arg11[%swap3A], %add3A_513 {strides = array<i32>} : memref<8192xi32, #tpu.memory_space<vmem>>, vector<16xi32>,
      %mul3A_515 = arith.constant 16 : i32
      %mul3A_516 = arith.muli %scan3A_501, %mul3A_515 : i32
      %get3A_517 = arith.index_cast %mul3A_516 : i32 to index
      %get3A_518 = tpu.vector_load %arg9[%get3A_517] {strides = array<i32>} : memref<4096xi32, #tpu.memory_space<vmem>>, vector<16xi32>,
      %add3A_519 = vector.broadcast %mul3A_372 : i32 to vector<16xi32>
      %add3A_520 = arith.addi %get3A_518, %add3A_519 : vector<16xi32>
      %add3A_521 = arith.constant 128 : i32
      %add3A_522 = arith.addi %add3A_508, %add3A_521 : i32
      %swap3A_523 = arith.index_cast %add3A_522 : i32 to index
      %swap3A_524 = tpu.vector_load %arg11[%swap3A_523] {strides = array<i32>} : memref<8192xi32, #tpu.memory_space<vmem>>, vector<16xi32>,
      tpu.vector_store %arg11[%swap3A_523], %add3A_520 {strides = array<i32>} : memref<8192xi32, #tpu.memory_space<vmem>>, vector<16xi32>,
    }
    %scan3A_378 = arith.constant 64 : i32
    %dma_start3A_379 = arith.constant 0 : i32
    %dma_start3A_380 = tpu.memref_slice %arg13[%dma_start3A_379] : memref<8192xf32, #tpu.memory_space<vmem>> -> memref<2048xf32, #tpu.memory_space<vmem>>
    %dma_start3A_381 = arith.constant 0 : i32
    %dma_start3A_382 = tpu.memref_slice %arg11[%dma_start3A_381] : memref<8192xi32, #tpu.memory_space<vmem>> -> memref<2048xi32, #tpu.memory_space<vmem>>
    %dma_start3A_383 = arith.constant 0 : i32
    %dma_start3A_384 = tpu.memref_slice %arg2[%dma_start3A_383] : memref<16777216xf32, #tpu.memory_space<hbm>> -> memref<16777216xf32, #tpu.memory_space<hbm>>
    tpu.enqueue_indirect_dma source(%dma_start3A_384 : memref<16777216xf32, #tpu.memory_space<hbm>>) target(%dma_start3A_380 : memref<2048xf32, #tpu.memory_space<vmem>>) offsets(%dma_start3A_382 : memref<2048xi32, #tpu.memory_space<vmem>>) semaphore(%arg16 : memref<!tpu.dma_semaphore, #tpu.memory_space<semaphore_mem>>)
    %scan3A_385 = arith.constant 0 : i32
    %scan3A_386 = arith.constant 64 : i32
    %scan3A_387 = arith.constant 64 : i32
    %scan3A_388 = arith.addi %scan3A_386, %scan3A_387 : i32
    %scan3A_389 = arith.constant 1 : i32
    scf.for %scan3A_501 = %scan3A_386 to %scan3A_388 step %scan3A_389  : i32 {
      %shift_right_logical3A = arith.constant 3 : i32
      %shift_right_logical3A_502 = arith.shrui %scan3A_501, %shift_right_logical3A : i32
      %mul3A_503 = arith.constant 256 : i32
      %mul3A_504 = arith.muli %shift_right_logical3A_502, %mul3A_503 : i32
      %and3A = arith.constant 7 : i32
      %and3A_505 = arith.andi %scan3A_501, %and3A : i32
      %mul3A_506 = arith.constant 16 : i32
      %mul3A_507 = arith.muli %and3A_505, %mul3A_506 : i32
      %add3A_508 = arith.addi %mul3A_504, %mul3A_507 : i32
      %mul3A_509 = arith.constant 16 : i32
      %mul3A_510 = arith.muli %scan3A_501, %mul3A_509 : i32
      %get3A = arith.index_cast %mul3A_510 : i32 to index
      %get3A_511 = tpu.vector_load %arg7[%get3A] {strides = array<i32>} : memref<4096xi32, #tpu.memory_space<vmem>>, vector<16xi32>,
      %add3A_512 = vector.broadcast %mul3A_372 : i32 to vector<16xi32>
      %add3A_513 = arith.addi %get3A_511, %add3A_512 : vector<16xi32>
      %swap3A = arith.index_cast %add3A_508 : i32 to index
      %swap3A_514 = tpu.vector_load %arg11[%swap3A] {strides = array<i32>} : memref<8192xi32, #tpu.memory_space<vmem>>, vector<16xi32>,
      tpu.vector_store %arg11[%swap3A], %add3A_513 {strides = array<i32>} : memref<8192xi32, #tpu.memory_space<vmem>>, vector<16xi32>,
      %mul3A_515 = arith.constant 16 : i32
      %mul3A_516 = arith.muli %scan3A_501, %mul3A_515 : i32
      %get3A_517 = arith.index_cast %mul3A_516 : i32 to index
      %get3A_518 = tpu.vector_load %arg9[%get3A_517] {strides = array<i32>} : memref<4096xi32, #tpu.memory_space<vmem>>, vector<16xi32>,
      %add3A_519 = vector.broadcast %mul3A_372 : i32 to vector<16xi32>
      %add3A_520 = arith.addi %get3A_518, %add3A_519 : vector<16xi32>
      %add3A_521 = arith.constant 128 : i32
      %add3A_522 = arith.addi %add3A_508, %add3A_521 : i32
      %swap3A_523 = arith.index_cast %add3A_522 : i32 to index
      %swap3A_524 = tpu.vector_load %arg11[%swap3A_523] {strides = array<i32>} : memref<8192xi32, #tpu.memory_space<vmem>>, vector<16xi32>,
      tpu.vector_store %arg11[%swap3A_523], %add3A_520 {strides = array<i32>} : memref<8192xi32, #tpu.memory_space<vmem>>, vector<16xi32>,
    }
    %scan3A_390 = arith.constant 64 : i32
    %dma_start3A_391 = arith.constant 2048 : i32
    %dma_start3A_392 = tpu.memref_slice %arg13[%dma_start3A_391] : memref<8192xf32, #tpu.memory_space<vmem>> -> memref<2048xf32, #tpu.memory_space<vmem>>
    %dma_start3A_393 = arith.constant 2048 : i32
    %dma_start3A_394 = tpu.memref_slice %arg11[%dma_start3A_393] : memref<8192xi32, #tpu.memory_space<vmem>> -> memref<2048xi32, #tpu.memory_space<vmem>>
    %dma_start3A_395 = arith.constant 0 : i32
    %dma_start3A_396 = tpu.memref_slice %arg2[%dma_start3A_395] : memref<16777216xf32, #tpu.memory_space<hbm>> -> memref<16777216xf32, #tpu.memory_space<hbm>>
    tpu.enqueue_indirect_dma source(%dma_start3A_396 : memref<16777216xf32, #tpu.memory_space<hbm>>) target(%dma_start3A_392 : memref<2048xf32, #tpu.memory_space<vmem>>) offsets(%dma_start3A_394 : memref<2048xi32, #tpu.memory_space<vmem>>) semaphore(%arg16 : memref<!tpu.dma_semaphore, #tpu.memory_space<semaphore_mem>>)
    %scan3A_397 = arith.constant 0 : i32
    %scan3A_398 = arith.constant 128 : i32
    %scan3A_399 = arith.constant 64 : i32
    %scan3A_400 = arith.addi %scan3A_398, %scan3A_399 : i32
    %scan3A_401 = arith.constant 1 : i32
    scf.for %scan3A_501 = %scan3A_398 to %scan3A_400 step %scan3A_401  : i32 {
      %shift_right_logical3A = arith.constant 3 : i32
      %shift_right_logical3A_502 = arith.shrui %scan3A_501, %shift_right_logical3A : i32
      %mul3A_503 = arith.constant 256 : i32
      %mul3A_504 = arith.muli %shift_right_logical3A_502, %mul3A_503 : i32
      %and3A = arith.constant 7 : i32
      %and3A_505 = arith.andi %scan3A_501, %and3A : i32
      %mul3A_506 = arith.constant 16 : i32
      %mul3A_507 = arith.muli %and3A_505, %mul3A_506 : i32
      %add3A_508 = arith.addi %mul3A_504, %mul3A_507 : i32
      %mul3A_509 = arith.constant 16 : i32
      %mul3A_510 = arith.muli %scan3A_501, %mul3A_509 : i32
      %get3A = arith.index_cast %mul3A_510 : i32 to index
      %get3A_511 = tpu.vector_load %arg7[%get3A] {strides = array<i32>} : memref<4096xi32, #tpu.memory_space<vmem>>, vector<16xi32>,
      %add3A_512 = vector.broadcast %mul3A_372 : i32 to vector<16xi32>
      %add3A_513 = arith.addi %get3A_511, %add3A_512 : vector<16xi32>
      %swap3A = arith.index_cast %add3A_508 : i32 to index
      %swap3A_514 = tpu.vector_load %arg11[%swap3A] {strides = array<i32>} : memref<8192xi32, #tpu.memory_space<vmem>>, vector<16xi32>,
      tpu.vector_store %arg11[%swap3A], %add3A_513 {strides = array<i32>} : memref<8192xi32, #tpu.memory_space<vmem>>, vector<16xi32>,
      %mul3A_515 = arith.constant 16 : i32
      %mul3A_516 = arith.muli %scan3A_501, %mul3A_515 : i32
      %get3A_517 = arith.index_cast %mul3A_516 : i32 to index
      %get3A_518 = tpu.vector_load %arg9[%get3A_517] {strides = array<i32>} : memref<4096xi32, #tpu.memory_space<vmem>>, vector<16xi32>,
      %add3A_519 = vector.broadcast %mul3A_372 : i32 to vector<16xi32>
      %add3A_520 = arith.addi %get3A_518, %add3A_519 : vector<16xi32>
      %add3A_521 = arith.constant 128 : i32
      %add3A_522 = arith.addi %add3A_508, %add3A_521 : i32
      %swap3A_523 = arith.index_cast %add3A_522 : i32 to index
      %swap3A_524 = tpu.vector_load %arg11[%swap3A_523] {strides = array<i32>} : memref<8192xi32, #tpu.memory_space<vmem>>, vector<16xi32>,
      tpu.vector_store %arg11[%swap3A_523], %add3A_520 {strides = array<i32>} : memref<8192xi32, #tpu.memory_space<vmem>>, vector<16xi32>,
    }
    %scan3A_402 = arith.constant 64 : i32
    %dma_start3A_403 = arith.constant 4096 : i32
    %dma_start3A_404 = tpu.memref_slice %arg13[%dma_start3A_403] : memref<8192xf32, #tpu.memory_space<vmem>> -> memref<2048xf32, #tpu.memory_space<vmem>>
    %dma_start3A_405 = arith.constant 4096 : i32
    %dma_start3A_406 = tpu.memref_slice %arg11[%dma_start3A_405] : memref<8192xi32, #tpu.memory_space<vmem>> -> memref<2048xi32, #tpu.memory_space<vmem>>
    %dma_start3A_407 = arith.constant 0 : i32
    %dma_start3A_408 = tpu.memref_slice %arg2[%dma_start3A_407] : memref<16777216xf32, #tpu.memory_space<hbm>> -> memref<16777216xf32, #tpu.memory_space<hbm>>
    tpu.enqueue_indirect_dma source(%dma_start3A_408 : memref<16777216xf32, #tpu.memory_space<hbm>>) target(%dma_start3A_404 : memref<2048xf32, #tpu.memory_space<vmem>>) offsets(%dma_start3A_406 : memref<2048xi32, #tpu.memory_space<vmem>>) semaphore(%arg16 : memref<!tpu.dma_semaphore, #tpu.memory_space<semaphore_mem>>)
    %scan3A_409 = arith.constant 0 : i32
    %scan3A_410 = arith.constant 192 : i32
    %scan3A_411 = arith.constant 64 : i32
    %scan3A_412 = arith.addi %scan3A_410, %scan3A_411 : i32
    %scan3A_413 = arith.constant 1 : i32
    scf.for %scan3A_501 = %scan3A_410 to %scan3A_412 step %scan3A_413  : i32 {
      %shift_right_logical3A = arith.constant 3 : i32
      %shift_right_logical3A_502 = arith.shrui %scan3A_501, %shift_right_logical3A : i32
      %mul3A_503 = arith.constant 256 : i32
      %mul3A_504 = arith.muli %shift_right_logical3A_502, %mul3A_503 : i32
      %and3A = arith.constant 7 : i32
      %and3A_505 = arith.andi %scan3A_501, %and3A : i32
      %mul3A_506 = arith.constant 16 : i32
      %mul3A_507 = arith.muli %and3A_505, %mul3A_506 : i32
      %add3A_508 = arith.addi %mul3A_504, %mul3A_507 : i32
      %mul3A_509 = arith.constant 16 : i32
      %mul3A_510 = arith.muli %scan3A_501, %mul3A_509 : i32
      %get3A = arith.index_cast %mul3A_510 : i32 to index
      %get3A_511 = tpu.vector_load %arg7[%get3A] {strides = array<i32>} : memref<4096xi32, #tpu.memory_space<vmem>>, vector<16xi32>,
      %add3A_512 = vector.broadcast %mul3A_372 : i32 to vector<16xi32>
      %add3A_513 = arith.addi %get3A_511, %add3A_512 : vector<16xi32>
      %swap3A = arith.index_cast %add3A_508 : i32 to index
      %swap3A_514 = tpu.vector_load %arg11[%swap3A] {strides = array<i32>} : memref<8192xi32, #tpu.memory_space<vmem>>, vector<16xi32>,
      tpu.vector_store %arg11[%swap3A], %add3A_513 {strides = array<i32>} : memref<8192xi32, #tpu.memory_space<vmem>>, vector<16xi32>,
      %mul3A_515 = arith.constant 16 : i32
      %mul3A_516 = arith.muli %scan3A_501, %mul3A_515 : i32
      %get3A_517 = arith.index_cast %mul3A_516 : i32 to index
      %get3A_518 = tpu.vector_load %arg9[%get3A_517] {strides = array<i32>} : memref<4096xi32, #tpu.memory_space<vmem>>, vector<16xi32>,
      %add3A_519 = vector.broadcast %mul3A_372 : i32 to vector<16xi32>
      %add3A_520 = arith.addi %get3A_518, %add3A_519 : vector<16xi32>
      %add3A_521 = arith.constant 128 : i32
      %add3A_522 = arith.addi %add3A_508, %add3A_521 : i32
      %swap3A_523 = arith.index_cast %add3A_522 : i32 to index
      %swap3A_524 = tpu.vector_load %arg11[%swap3A_523] {strides = array<i32>} : memref<8192xi32, #tpu.memory_space<vmem>>, vector<16xi32>,
      tpu.vector_store %arg11[%swap3A_523], %add3A_520 {strides = array<i32>} : memref<8192xi32, #tpu.memory_space<vmem>>, vector<16xi32>,
    }
    %scan3A_414 = arith.constant 64 : i32
    %dma_start3A_415 = arith.constant 6144 : i32
    %dma_start3A_416 = tpu.memref_slice %arg13[%dma_start3A_415] : memref<8192xf32, #tpu.memory_space<vmem>> -> memref<2048xf32, #tpu.memory_space<vmem>>
    %dma_start3A_417 = arith.constant 6144 : i32
    %dma_start3A_418 = tpu.memref_slice %arg11[%dma_start3A_417] : memref<8192xi32, #tpu.memory_space<vmem>> -> memref<2048xi32, #tpu.memory_space<vmem>>
    %dma_start3A_419 = arith.constant 0 : i32
    %dma_start3A_420 = tpu.memref_slice %arg2[%dma_start3A_419] : memref<16777216xf32, #tpu.memory_space<hbm>> -> memref<16777216xf32, #tpu.memory_space<hbm>>
    tpu.enqueue_indirect_dma source(%dma_start3A_420 : memref<16777216xf32, #tpu.memory_space<hbm>>) target(%dma_start3A_416 : memref<2048xf32, #tpu.memory_space<vmem>>) offsets(%dma_start3A_418 : memref<2048xi32, #tpu.memory_space<vmem>>) semaphore(%arg16 : memref<!tpu.dma_semaphore, #tpu.memory_space<semaphore_mem>>)
    %dma_wait3A_421 = arith.constant 0 : i32
    %dma_wait3A_422 = tpu.memref_slice %arg12[%dma_wait3A_421] : memref<8192xf32, #tpu.memory_space<vmem>> -> memref<2048xf32, #tpu.memory_space<vmem>>
    %dma_wait3A_423 = arith.constant 0 : i32
    %dma_wait3A_424 = tpu.memref_slice %arg10[%dma_wait3A_423] : memref<8192xi32, #tpu.memory_space<vmem>> -> memref<2048xi32, #tpu.memory_space<vmem>>
    %dma_wait3A_425 = arith.constant 0 : i32
    %dma_wait3A_426 = tpu.memref_slice %arg2[%dma_wait3A_425] : memref<16777216xf32, #tpu.memory_space<hbm>> -> memref<16777216xf32, #tpu.memory_space<hbm>>
    tpu.wait_indirect_dma semaphore(%arg15 : memref<!tpu.dma_semaphore, #tpu.memory_space<semaphore_mem>>) src(%dma_wait3A_426 : memref<16777216xf32, #tpu.memory_space<hbm>>) dst(%dma_wait3A_422 : memref<2048xf32, #tpu.memory_space<vmem>>)
    %dma_wait3A_427 = arith.constant 2048 : i32
    %dma_wait3A_428 = tpu.memref_slice %arg12[%dma_wait3A_427] : memref<8192xf32, #tpu.memory_space<vmem>> -> memref<2048xf32, #tpu.memory_space<vmem>>
    %dma_wait3A_429 = arith.constant 2048 : i32
    %dma_wait3A_430 = tpu.memref_slice %arg10[%dma_wait3A_429] : memref<8192xi32, #tpu.memory_space<vmem>> -> memref<2048xi32, #tpu.memory_space<vmem>>
    %dma_wait3A_431 = arith.constant 0 : i32
    %dma_wait3A_432 = tpu.memref_slice %arg2[%dma_wait3A_431] : memref<16777216xf32, #tpu.memory_space<hbm>> -> memref<16777216xf32, #tpu.memory_space<hbm>>
    tpu.wait_indirect_dma semaphore(%arg15 : memref<!tpu.dma_semaphore, #tpu.memory_space<semaphore_mem>>) src(%dma_wait3A_432 : memref<16777216xf32, #tpu.memory_space<hbm>>) dst(%dma_wait3A_428 : memref<2048xf32, #tpu.memory_space<vmem>>)
    %dma_wait3A_433 = arith.constant 4096 : i32
    %dma_wait3A_434 = tpu.memref_slice %arg12[%dma_wait3A_433] : memref<8192xf32, #tpu.memory_space<vmem>> -> memref<2048xf32, #tpu.memory_space<vmem>>
    %dma_wait3A_435 = arith.constant 4096 : i32
    %dma_wait3A_436 = tpu.memref_slice %arg10[%dma_wait3A_435] : memref<8192xi32, #tpu.memory_space<vmem>> -> memref<2048xi32, #tpu.memory_space<vmem>>
    %dma_wait3A_437 = arith.constant 0 : i32
    %dma_wait3A_438 = tpu.memref_slice %arg2[%dma_wait3A_437] : memref<16777216xf32, #tpu.memory_space<hbm>> -> memref<16777216xf32, #tpu.memory_space<hbm>>
    tpu.wait_indirect_dma semaphore(%arg15 : memref<!tpu.dma_semaphore, #tpu.memory_space<semaphore_mem>>) src(%dma_wait3A_438 : memref<16777216xf32, #tpu.memory_space<hbm>>) dst(%dma_wait3A_434 : memref<2048xf32, #tpu.memory_space<vmem>>)
    %dma_wait3A_439 = arith.constant 6144 : i32
    %dma_wait3A_440 = tpu.memref_slice %arg12[%dma_wait3A_439] : memref<8192xf32, #tpu.memory_space<vmem>> -> memref<2048xf32, #tpu.memory_space<vmem>>
    %dma_wait3A_441 = arith.constant 6144 : i32
    %dma_wait3A_442 = tpu.memref_slice %arg10[%dma_wait3A_441] : memref<8192xi32, #tpu.memory_space<vmem>> -> memref<2048xi32, #tpu.memory_space<vmem>>
    %dma_wait3A_443 = arith.constant 0 : i32
    %dma_wait3A_444 = tpu.memref_slice %arg2[%dma_wait3A_443] : memref<16777216xf32, #tpu.memory_space<hbm>> -> memref<16777216xf32, #tpu.memory_space<hbm>>
    tpu.wait_indirect_dma semaphore(%arg15 : memref<!tpu.dma_semaphore, #tpu.memory_space<semaphore_mem>>) src(%dma_wait3A_444 : memref<16777216xf32, #tpu.memory_space<hbm>>) dst(%dma_wait3A_440 : memref<2048xf32, #tpu.memory_space<vmem>>)
    %mul3A_445 = arith.constant 4 : i32
    %mul3A_446 = arith.muli %add3A, %mul3A_445 : i32
    %add3A_447 = arith.constant 2 : i32
    %add3A_448 = arith.addi %mul3A_446, %add3A_447 : i32
    %mul3A_449 = arith.constant 8192 : i32
    %mul3A_450 = arith.muli %add3A_448, %mul3A_449 : i32
    %dma_start3A_451 = tpu.memref_slice %arg5[%mul3A_450] : memref<1048576xf32, #tpu.memory_space<hbm>> -> memref<8192xf32, #tpu.memory_space<hbm>>
    %dma_start3A_452 = tpu.memref_slice %arg5[%mul3A_450] : memref<1048576xf32, #tpu.memory_space<hbm>> -> memref<8192xf32, #tpu.memory_space<hbm>>
    tpu.enqueue_dma source(%arg12 : memref<8192xf32, #tpu.memory_space<vmem>>) target(%dma_start3A_452 : memref<8192xf32, #tpu.memory_space<hbm>>) target_semaphore(%arg17 : memref<!tpu.dma_semaphore, #tpu.memory_space<semaphore_mem>>)
    %dma_wait3A_453 = arith.constant 0 : i32
    %dma_wait3A_454 = tpu.memref_slice %arg13[%dma_wait3A_453] : memref<8192xf32, #tpu.memory_space<vmem>> -> memref<2048xf32, #tpu.memory_space<vmem>>
    %dma_wait3A_455 = arith.constant 0 : i32
    %dma_wait3A_456 = tpu.memref_slice %arg11[%dma_wait3A_455] : memref<8192xi32, #tpu.memory_space<vmem>> -> memref<2048xi32, #tpu.memory_space<vmem>>
    %dma_wait3A_457 = arith.constant 0 : i32
    %dma_wait3A_458 = tpu.memref_slice %arg2[%dma_wait3A_457] : memref<16777216xf32, #tpu.memory_space<hbm>> -> memref<16777216xf32, #tpu.memory_space<hbm>>
    tpu.wait_indirect_dma semaphore(%arg16 : memref<!tpu.dma_semaphore, #tpu.memory_space<semaphore_mem>>) src(%dma_wait3A_458 : memref<16777216xf32, #tpu.memory_space<hbm>>) dst(%dma_wait3A_454 : memref<2048xf32, #tpu.memory_space<vmem>>)
    %dma_wait3A_459 = arith.constant 2048 : i32
    %dma_wait3A_460 = tpu.memref_slice %arg13[%dma_wait3A_459] : memref<8192xf32, #tpu.memory_space<vmem>> -> memref<2048xf32, #tpu.memory_space<vmem>>
    %dma_wait3A_461 = arith.constant 2048 : i32
    %dma_wait3A_462 = tpu.memref_slice %arg11[%dma_wait3A_461] : memref<8192xi32, #tpu.memory_space<vmem>> -> memref<2048xi32, #tpu.memory_space<vmem>>
    %dma_wait3A_463 = arith.constant 0 : i32
    %dma_wait3A_464 = tpu.memref_slice %arg2[%dma_wait3A_463] : memref<16777216xf32, #tpu.memory_space<hbm>> -> memref<16777216xf32, #tpu.memory_space<hbm>>
    tpu.wait_indirect_dma semaphore(%arg16 : memref<!tpu.dma_semaphore, #tpu.memory_space<semaphore_mem>>) src(%dma_wait3A_464 : memref<16777216xf32, #tpu.memory_space<hbm>>) dst(%dma_wait3A_460 : memref<2048xf32, #tpu.memory_space<vmem>>)
    %dma_wait3A_465 = arith.constant 4096 : i32
    %dma_wait3A_466 = tpu.memref_slice %arg13[%dma_wait3A_465] : memref<8192xf32, #tpu.memory_space<vmem>> -> memref<2048xf32, #tpu.memory_space<vmem>>
    %dma_wait3A_467 = arith.constant 4096 : i32
    %dma_wait3A_468 = tpu.memref_slice %arg11[%dma_wait3A_467] : memref<8192xi32, #tpu.memory_space<vmem>> -> memref<2048xi32, #tpu.memory_space<vmem>>
    %dma_wait3A_469 = arith.constant 0 : i32
    %dma_wait3A_470 = tpu.memref_slice %arg2[%dma_wait3A_469] : memref<16777216xf32, #tpu.memory_space<hbm>> -> memref<16777216xf32, #tpu.memory_space<hbm>>
    tpu.wait_indirect_dma semaphore(%arg16 : memref<!tpu.dma_semaphore, #tpu.memory_space<semaphore_mem>>) src(%dma_wait3A_470 : memref<16777216xf32, #tpu.memory_space<hbm>>) dst(%dma_wait3A_466 : memref<2048xf32, #tpu.memory_space<vmem>>)
    %dma_wait3A_471 = arith.constant 6144 : i32
    %dma_wait3A_472 = tpu.memref_slice %arg13[%dma_wait3A_471] : memref<8192xf32, #tpu.memory_space<vmem>> -> memref<2048xf32, #tpu.memory_space<vmem>>
    %dma_wait3A_473 = arith.constant 6144 : i32
    %dma_wait3A_474 = tpu.memref_slice %arg11[%dma_wait3A_473] : memref<8192xi32, #tpu.memory_space<vmem>> -> memref<2048xi32, #tpu.memory_space<vmem>>
    %dma_wait3A_475 = arith.constant 0 : i32
    %dma_wait3A_476 = tpu.memref_slice %arg2[%dma_wait3A_475] : memref<16777216xf32, #tpu.memory_space<hbm>> -> memref<16777216xf32, #tpu.memory_space<hbm>>
    tpu.wait_indirect_dma semaphore(%arg16 : memref<!tpu.dma_semaphore, #tpu.memory_space<semaphore_mem>>) src(%dma_wait3A_476 : memref<16777216xf32, #tpu.memory_space<hbm>>) dst(%dma_wait3A_472 : memref<2048xf32, #tpu.memory_space<vmem>>)
    %mul3A_477 = arith.constant 4 : i32
    %mul3A_478 = arith.muli %add3A, %mul3A_477 : i32
    %add3A_479 = arith.constant 2 : i32
    %add3A_480 = arith.addi %mul3A_478, %add3A_479 : i32
    %mul3A_481 = arith.constant 8192 : i32
    %mul3A_482 = arith.muli %add3A_480, %mul3A_481 : i32
    %dma_wait3A_483 = tpu.memref_slice %arg5[%mul3A_482] : memref<1048576xf32, #tpu.memory_space<hbm>> -> memref<8192xf32, #tpu.memory_space<hbm>>
    %dma_wait3A_484 = tpu.memref_slice %arg5[%mul3A_482] : memref<1048576xf32, #tpu.memory_space<hbm>> -> memref<8192xf32, #tpu.memory_space<hbm>>
    tpu.wait_dma2 semaphore(%arg17 : memref<!tpu.dma_semaphore, #tpu.memory_space<semaphore_mem>>) src(%arg12 : memref<8192xf32, #tpu.memory_space<vmem>>) dst(%dma_wait3A_484 : memref<8192xf32, #tpu.memory_space<hbm>>)
    %mul3A_485 = arith.constant 4 : i32
    %mul3A_486 = arith.muli %add3A, %mul3A_485 : i32
    %add3A_487 = arith.constant 3 : i32
    %add3A_488 = arith.addi %mul3A_486, %add3A_487 : i32
    %mul3A_489 = arith.constant 8192 : i32
    %mul3A_490 = arith.muli %add3A_488, %mul3A_489 : i32
    %dma_start3A_491 = tpu.memref_slice %arg5[%mul3A_490] : memref<1048576xf32, #tpu.memory_space<hbm>> -> memref<8192xf32, #tpu.memory_space<hbm>>
    %dma_start3A_492 = tpu.memref_slice %arg5[%mul3A_490] : memref<1048576xf32, #tpu.memory_space<hbm>> -> memref<8192xf32, #tpu.memory_space<hbm>>
    tpu.enqueue_dma source(%arg13 : memref<8192xf32, #tpu.memory_space<vmem>>) target(%dma_start3A_492 : memref<8192xf32, #tpu.memory_space<hbm>>) target_semaphore(%arg17 : memref<!tpu.dma_semaphore, #tpu.memory_space<semaphore_mem>>)
    %mul3A_493 = arith.constant 4 : i32
    %mul3A_494 = arith.muli %add3A, %mul3A_493 : i32
    %add3A_495 = arith.constant 3 : i32
    %add3A_496 = arith.addi %mul3A_494, %add3A_495 : i32
    %mul3A_497 = arith.constant 8192 : i32
    %mul3A_498 = arith.muli %add3A_496, %mul3A_497 : i32
    %dma_wait3A_499 = tpu.memref_slice %arg5[%mul3A_498] : memref<1048576xf32, #tpu.memory_space<hbm>> -> memref<8192xf32, #tpu.memory_space<hbm>>
    %dma_wait3A_500 = tpu.memref_slice %arg5[%mul3A_498] : memref<1048576xf32, #tpu.memory_space<hbm>> -> memref<8192xf32, #tpu.memory_space<hbm>>
    tpu.wait_dma2 semaphore(%arg17 : memref<!tpu.dma_semaphore, #tpu.memory_space<semaphore_mem>>) src(%arg13 : memref<8192xf32, #tpu.memory_space<vmem>>) dst(%dma_wait3A_500 : memref<8192xf32, #tpu.memory_space<hbm>>)
    return
  }
}

</mosaic_0001>

<sc_bundles>
// kernel: kernel.3.cloned.1.call-start
scs
__scs_entry_jumppad:
0x0: {  	(pc) =	sbr.rel $0x88, $3  }
0x1: {  	(tag) =	ssettag $0x0;
	lr =	simm.s32 $0x1  }
0x2: {  	[smem:$0x3F9E] =	sst lr;
	_ =	strace $0xD0000000  }
0x3: {  	_ = 	snop  }
0x4: {  	_ = 	snop  }
0x5: {  	_ = 	snop  }
0x6: {  	_ = 	snop  }
0x7: {  	_ = 	snop  }
__scs_overlays_trampoline_lowered:
0x8: {  	[smem:$0x3FAD] =	sst s0  }
0x9: {  	[smem:$0x3FAE] =	sst s1  }
0xa: {  	[smem:$0x3FAF] =	sst s2  }
0xb: {  	[smem:$0x3FB0] =	sst s3  }
0xc: {  	[smem:$0x3FB1] =	sst s4  }
0xd: {  	[smem:$0x3FB2] =	sst s5  }
0xe: {  	[smem:$0x3FB3] =	sst s6  }
0xf: {  	[smem:$0x3FB4] =	sst s7  }
0x10: {  	[smem:$0x3FB5] =	sst s8  }
0x11: {  	[smem:$0x3FB6] =	sst s9;
	s0 =	simm.s32 @!p0 $0x0  }
0x12: {  	s1 =	sld [smem:$0x3F9C];
	s0 =	simm.s32 @p0 $0x1  }
0x13: {  	[smem:$0x3FB7] =	sst s0;
	s0 =	simm.s32 @!p1 $0x0  }
0x14: {  	s2 =	sld [smem:$0x3F9B];
	s0 =	simm.s32 @p1 $0x1  }
0x15: {  	[smem:$0x3FB8] =	sst s0;
	s0 =	simm.s32 @!p2 $0x0  }
0x16: {  	s3 =	sld [smem:$0x3FDB];
	s0 =	simm.s32 @p2 $0x1  }
0x17: {  	s4 =	simm.s32 $0x1BF5;
	[smem:$0x3FBA] =	sst s0  }
0x18: {  	s0 =	sld [smem:$0x3F9D];
	_ =	swait.ge [sflag:s4], $0x0  }
0x19: {  	s7 =	sld [smem:$0x3F9E]  }
0x1a: {  	s8 =	sadd.s32 $0xFFFFE003, lr  }
0x1b: {  	s9 =	sadd.s32 $0xFFFFFEF7, lr;
	s5 =	simm.s32 $0xFFFFFFFF;
	p2 =	slt.u32 s8, $0xFFFFF086  }
0x1c: {  	p1 =	slt.u32 s9, $0xF7A;
	s5 =	simm.s32 @!p2 $0x0  }
0x1d: {  	s5 =	simm.s32 @p1 $0x1;
	p0 =	seq.s32 s7, s2  }
0x1e: {  	s7 =	smul.u32 @!p0 $0xF7A, s2;
	p2 =	seq.s32 @!p0 s5, $0x0  }
0x1f: {  	s9 =	smul.u32 $0xF7A, s1;
	s8 =	simm.s32 @!p0 $0x1BF5;
	p2 =	por !p2, p0  }
0x20: {  	[sflag:s8] =	ssyncset.s32 @!p0 $0xFFFFF086;
	s6 =	sadd.s32 @!p0 s3, s7;
	s7 =	simm.s32 @!p0 $0x108  }
0x21: {  	s3 =	sadd.s32 s3, s9;
	s6 =	sadd.s32 @!p0 $0x88, s6;
	s7 =	simm.s32 @p2 $0x1082  }
0x22: {  	[simem:s7], [sflag:s8] =	dma.local @!p0 [hbm:s6], $0xF7A  }
0x23: {  	s9 =	sor.u32 $0xD0000000, s2;
	s6 =	simm.s32 $0x108;
	_ =	swait.ge @!p0 [sflag:s8], $0x0  }
0x24: {  	s3 =	sadd.s32 $0x88, s3;
	s6 =	simm.s32 @!p1 $0x1082;
	[sflag:s4] =	ssyncset.s32 $0xFFFFF086  }
0x25: {  	[simem:s6], [sflag:s4] =	dma.local [hbm:s3], $0xF7A  }
0x26: {  	[smem:$0x3F9E] =	sst s1;
	(tag) =	ssettag s2;
	_ =	strace s9  }
0x27: {  	s1 =	sld [smem:$0x3FAE]  }
0x28: {  	s2 =	sld [smem:$0x3FAF]  }
0x29: {  	s4 =	sld [smem:$0x3FB1]  }
0x2a: {  	p0 =	seq.s32 s5, $0x0;
	s5 =	sld [smem:$0x3FB2]  }
0x2b: {  	s6 =	sld [smem:$0x3FB3]  }
0x2c: {  	s7 =	sld [smem:$0x3FB4]  }
0x2d: {  	s3 =	simm.s32 $0x108;
	s8 =	sld [smem:$0x3FB5]  }
0x2e: {  	s3 =	simm.s32 @!p0 $0x1082;
	s9 =	sld [smem:$0x3FB6]  }
0x2f: {  	lr =	sadd.s32 s0, s3;
	s0 =	sld [smem:$0x3FAD]  }
0x30: {  	s3 =	sld [smem:$0x3FB0]  }
0x31: {  	[smem:$0x3FB9] =	sst s10  }
0x32: {  	s10 =	sld [smem:$0x3FB7];
	_ =	sdelay $0x3  }
0x33: {  	p0 =	seq.s32 s10, $0x1;
	s10 =	sld [smem:$0x3FB9];
	_ =	sdelay $0x3  }
0x34: {  	[smem:$0x3FB9] =	sst s10  }
0x35: {  	s10 =	sld [smem:$0x3FB8];
	_ =	sdelay $0x3  }
0x36: {  	p1 =	seq.s32 s10, $0x1;
	s10 =	sld [smem:$0x3FB9];
	_ =	sdelay $0x3  }
0x37: {  	[smem:$0x3FB9] =	sst s10  }
0x38: {  	s10 =	sld [smem:$0x3FBA]  }
0x39: {  	_ = 	snop;
	(pc) =	sbr.ind lr, $3  }
0x3a: {  	_ = 	snop  }
0x3b: {  	_ = 	snop  }
0x3c: {  	p2 =	seq.s32 s10, $0x1;
	s10 =	sld [smem:$0x3FB9]  }
0x3d: {  	_ =	shalt  }
0x3e: {  	_ =	shalt  }
0x3f: {  	_ =	shalt  }
0x40: {  	_ =	shalt  }
0x41: {  	_ =	shalt  }
0x42: {  	_ =	shalt  }
0x43: {  	_ =	shalt  }
0x44: {  	_ =	shalt  }
0x45: {  	_ =	shalt  }
0x46: {  	_ =	shalt  }
0x47: {  	_ =	shalt  }
0x48: {  	_ =	shalt  }
0x49: {  	_ =	shalt  }
0x4a: {  	_ =	shalt  }
0x4b: {  	_ =	shalt  }
0x4c: {  	_ =	shalt  }
0x4d: {  	_ =	shalt  }
0x4e: {  	_ =	shalt  }
0x4f: {  	_ =	shalt  }
0x50: {  	_ =	shalt  }
0x51: {  	_ =	shalt  }
0x52: {  	_ =	shalt  }
0x53: {  	_ =	shalt  }
0x54: {  	_ =	shalt  }
0x55: {  	_ =	shalt  }
0x56: {  	_ =	shalt  }
0x57: {  	_ =	shalt  }
0x58: {  	_ =	shalt  }
0x59: {  	_ =	shalt  }
0x5a: {  	_ =	shalt  }
0x5b: {  	_ =	shalt  }
0x5c: {  	_ =	shalt  }
0x5d: {  	_ =	shalt  }
0x5e: {  	_ =	shalt  }
0x5f: {  	_ =	shalt  }
0x60: {  	_ =	shalt  }
0x61: {  	_ =	shalt  }
0x62: {  	_ =	shalt  }
0x63: {  	_ =	shalt  }
0x64: {  	_ =	shalt  }
0x65: {  	_ =	shalt  }
0x66: {  	_ =	shalt  }
0x67: {  	_ =	shalt  }
0x68: {  	_ =	shalt  }
0x69: {  	_ =	shalt  }
0x6a: {  	_ =	shalt  }
0x6b: {  	_ =	shalt  }
0x6c: {  	_ =	shalt  }
0x6d: {  	_ =	shalt  }
0x6e: {  	_ =	shalt  }
0x6f: {  	_ =	shalt  }
0x70: {  	_ =	shalt  }
0x71: {  	_ =	shalt  }
0x72: {  	_ =	shalt  }
0x73: {  	_ =	shalt  }
0x74: {  	_ =	shalt  }
0x75: {  	_ =	shalt  }
0x76: {  	_ =	shalt  }
0x77: {  	_ =	shalt  }
0x78: {  	_ =	shalt  }
0x79: {  	_ =	shalt  }
0x7a: {  	_ =	shalt  }
0x7b: {  	_ =	shalt  }
0x7c: {  	_ =	shalt  }
0x7d: {  	_ =	shalt  }
0x7e: {  	_ =	shalt  }
0x7f: {  	_ =	shalt  }
0x80: {  	_ =	shalt  }
0x81: {  	_ =	shalt  }
0x82: {  	_ =	shalt  }
0x83: {  	_ =	shalt  }
0x84: {  	_ =	shalt  }
0x85: {  	_ =	shalt  }
0x86: {  	_ =	shalt  }
0x87: {  	_ =	shalt  }
.Lfunc_end0:
.L_simem_size_0:
called_computation.1_lowered:
.L_overlay_start_0:
0x88: {  	s2 =	sld [smem:$0x3FD9]  }
0x89: {  	s3 =	sld [smem:$0x3FFE];
	_ =	sdelay $0x1  }
0x8a: {  	s1 =	srdreg.scid  }
0x8b: {  	s0 =	sand.u32 $0x1, s1  }
0x8c: {  	s17 =	sshll.u32 s0, $0xA;
	s2 =	sadd.s32 s3, s2  }
0x8d: {  	s2 =	sadd.s32 s2, s17  }
0x8e: {  	[smem:$0x3FC5] =	sst s2  }
0x8f: {  	_ = 	snop  }
0x90: {  	s2 =	sld [smem:$0x3FC8]  }
0x91: {  	s18 =	sld [smem:$0x3FC7]  }
0x92: {  	s4 =	sld [smem:$0x3FD0];
	(tm) =	ssettm $0x1  }
0x93: {  	s5 =	sld [smem:$0x3FFB];
	_ =	sdelay $0x3  }
0x94: {  	_ =	strace s5  }
0x95: {  	s5 =	sld [smem:$0x3FFC];
	_ =	sdelay $0x3  }
0x96: {  	_ =	strace s5  }
0x97: {  	s5 =	sld [smem:$0x3FFD];
	_ =	sdelay $0x3  }
0x98: {  	_ =	strace s5  }
0x99: {  	_ =	strace $0x8FFFFFFF  }
0x9a: {  	s19 =	sld [smem:$0x3FDB];
	_ =	sdelay $0x1  }
0x9b: {  	s6 =	simm.s32 $_scs_section_size  }
0x9c: {  	s7 =	simm.s32 $_size__tile_overlayer_lowered;
	s8 =	simm.s32 $_tile_overlayer_lowered  }
0x9d: {  	s22 =	simm.s32 $0x1BFF;
	s21 =	sshll.u32 s8, $0x1;
	s5 =	sadd.s32 s6, s19  }
0x9e: {  	s9 =	simm.s32 $0x0;
	s20 =	sshll.u32 s7, $0x1;
	s7 =	sadd.s32 s21, s5  }
0x9f: {  	[timem:s9], [sflag:s22] =	dma.local [hbm:s7], s20  }
0xa0: {  	_ =	swait.ge [sflag:s22], s20  }
0xa1: {  	s6 =	ssub.s32 $0x0, s20;
	[sflag:s22] =	ssyncset.done $0x0  }
0xa2: {  	[sflag:s22] =	ssyncadd.s32 s6;
	_ =	sdelay $0x1  }
0xa3: {  	s23 =	simm.s32 $0x1B8B  }
0xa4: {  	_ =	swait.ge [sflag:s23], $0x1  }
0xa5: {  	[sflag:s23] =	ssyncset.done $0x0  }
0xa6: {  	s25 =	simm.s32 $0x1B8E;
	s24 =	sld [smem:$0x3FFE];
	[sflag:s23] =	ssyncadd.s32 $0xFFFFFFFF  }
0xa7: {  	s26 =	simm.s32 $execute0_lowered;
	[smem:$0x3FD2] =	sst s25  }
0xa8: {  	s7 =	sshll.u32 s26, $0x1;
	_ =	strace $0x80000049;
	[dreg:$0x1] =	wrdreg $0xFFFFFFFF  }
0xa9: {  	s28 =	simm.s32 $_size_execute0_lowered;
	s5 =	sadd.s32 s5, s7;
	[dreg:$0x0] =	wrdreg $0x0  }
0xaa: {  	s7 =	sshll.u32 s28, $0x1;
	[dreg:$0x2] =	wrdreg s5  }
0xab: {  	[dreg:$0x3] =	wrdreg s7  }
0xac: {  	[dreg:$0x4] =	wrdreg $0xC0  }
0xad: {  	_ =	task [dreg:s9], $0x5FFFF  }
0xae: {  	[dreg:$0x1] =	wrdreg $0xFFFFFFFF  }
0xaf: {  	[dreg:$0x0] =	wrdreg $0x60  }
0xb0: {  	[dreg:$0x2] =	wrdreg s24  }
0xb1: {  	[dreg:$0x3] =	wrdreg s2  }
0xb2: {  	[dreg:$0x4] =	wrdreg s18  }
0xb3: {  	[dreg:$0x5] =	wrdreg s4  }
0xb4: {  	[dreg:$0x6] =	wrdreg $0x9  }
0xb5: {  	_ =	task.clear_ibuf [dreg:s9], $0x7FFFF;
	_ =	strace $0x90000049  }
0xb6: {  	s29 =	simm.s32 $0x9;
	_ =	strace $0x8000004B  }
0xb7: {  	_ =	swait.ge [sflag:s29], $0x1  }
0xb8: {  	[sflag:s29] =	ssyncadd.s32 $0xFFFFFFFF  }
0xb9: {  	_ =	strace $0x9000004B  }
0xba: {  	_ =	sfence  }
0xbb: {  	s30 =	sld [smem:$0x0];
	_ =	sdelay $0x2  }
0xbc: {  	s31 =	sshll.u32 s1, $0xD;
	s1 =	sshrl.u32 s1, $0x2  }
0xbd: {  	s3 =	sand.u32 $0x4000, s31;
	s1 =	sadd.s32 s1, s30  }
0xbe: {  	s0 =	sor.u32 s3, s0;
	s1 =	sshll.u32 s1, $0x11  }
0xbf: {  	s0 =	sor.u32 s1, s0  }
0xc0: {  	s0 =	sadd.s32 $0x8F2B, s0  }
0xc1: {  	[sflag:s0] =	ssyncadd.remote.s32 $0x1  }
0xc2: {  	_ =	sfence.sel $0xFFFF  }
0xc3: {  	[dreg:$0x0] =	wrdreg $0xFFFFFFFF;
	(pc) =	sbr.abs _section_cstart, $3  }
0xc4: {  	[dreg:$0x1] =	wrdreg $0xFFFFFFFF  }
0xc5: {  	_ =	task.clear_ibuf [dreg:s9], $0x2FFFF;
	_ =	strace $0x9FFFFFFF  }
0xc6: {  	(tm) =	ssettm $0x7FFFFFFF  }
0xc7: {  	_ =	shalt  }
tec
execute0_lowered:
.L_overlay_start_1:
0x0: {  	(tag) =	ssettag $0x1  }
0x1: {  	s0 =	rddreg [dreg:$0x0]  }
0x2: {  	s1 =	rddreg [dreg:$0x1]  }
0x3: {  	s4 =	rddreg [dreg:$0x2]  }
0x4: {  	s5 =	rddreg [dreg:$0x3]  }
0x5: {  	s3 =	srdreg.scid;
	s10 =	stileid.u32  }
0x6: {  	s2 =	simm.s32 $0x0;
	s31 =	simm.s32 $0x9800;
	s6 =	sand.u32 $0x1, s3  }
0x7: {  	s14 =	sshll.u32 s10, $0x1;
	[smem:$0x7FF] =	sst s2;
	s3 =	sadd.s32 $0x800, s0  }
0x8: {  	s10 =	sshll.u32 s10, $0xF;
	s7 =	sor.u32 s6, s14;
	_ =	strace $0x8000004A  }
0x9: {  	s15 =	ssub.s32 $0x2, s6;
	s6 =	sshll.u32 s6, $0x9;
	s8 =	sshll.u32 s7, $0x2  }
0xa: {  	s12 =	sshrl.u32 s15, $0x1;
	s6 =	sor.u32 s6, s10;
	s19 =	sshllo.u32 s7, $0x2  }
0xb: {  	s20 =	sshll.u32 s7, $0x14;
	s7 =	sshll.u32 s7, $0xC;
	s9 =	sor.u32 $0x1, s8  }
0xc: {  	s0 =	ssub.s32 s15, s12;
	s6 =	sshrl.u32 s6, $0x3;
	s8 =	sor.u32 $0x2, s8  }
0xd: {  	s13 =	sshll.u32 s19, $0x7;
	s12 =	sand.u32 $0xF00000, s20;
	s7 =	sadd.s32 s5, s7  }
0xe: {  	s28 =	sshll.u32 s19, $0x12;
	s30 =	sshll.u32 s19, $0xA;
	s19 =	simm.s32 $0x1  }
0xf: {  	s20 =	simm.s32 $0xB800;
	s11 =	sshll.u32 s9, $0x7;
	s16 =	sadd.s32 s1, s6  }
0x10: {  	s6 =	sadd.s32 s4, s6;
	s18 =	sshll.u32 s8, $0x7;
	s13 =	sand.u32 $0x380, s13  }
0x11: {  	s22 =	sshll.u32 s9, $0x12;
	[dreg:$0xb] =	wrdreg s7;
	s24 =	sshll.u32 s8, $0x12  }
0x12: {  	s25 =	sshll.u32 s9, $0xA;
	s29 =	sshll.u32 s8, $0xA;
	s15 =	sadd.s32 s5, s30  }
0x13: {  	s7 =	simm.s32 $0x7000;
	s8 =	simm.s32 $0xB000;
	[dreg:$0x5] =	wrdreg s16  }
0x14: {  	s9 =	simm.s32 $0x7800;
	s11 =	sand.u32 $0x280, s11;
	[dreg:$0x6] =	wrdreg s6  }
0x15: {  	s6 =	sand.u32 $0x300, s18;
	s21 =	sor.u32 s10, s13;
	s13 =	sand.u32 $0xF40000, s22  }
0x16: {  	s26 =	sadd.s32 s5, s25;
	s22 =	sand.u32 $0xFC0000, s28;
	s11 =	sor.u32 s10, s11  }
0x17: {  	s16 =	smax.u32 s0, $0x1;
	s18 =	simm.s32 $0x400;
	s11 =	sshrl.u32 s11, $0x3  }
0x18: {  	s6 =	sor.u32 s10, s6;
	[dreg:$0xe] =	wrdreg s26;
	s17 =	sadd.s32 s1, s11  }
0x19: {  	s6 =	sshrl.u32 s6, $0x3;
	s11 =	sadd.s32 s4, s11;
	[dreg:$0x7] =	wrdreg s17  }
0x1a: {  	s0 =	simm.s32 $0x2000;
	s14 =	sadd.s32 s1, s6;
	[dreg:$0x8] =	wrdreg s11  }
0x1b: {  	s26 =	simm.s32 $0x800;
	s6 =	sadd.s32 s4, s6;
	[dreg:$0x9] =	wrdreg s14  }
0x1c: {  	s10 =	simm.s32 $0x2;
	v3 =	vmov s22;
	s22 =	simm.s32 $0x0;
	[dreg:$0xa] =	wrdreg s6  }
0x1d: {  	s6 =	sshrl.u32 s21, $0x3;
	s21 =	sand.u32 $0xF80000, s24;
	s14 =	sadd.s32 s5, s29  }
0x1e: {  	s17 =	simm.s32 $0x80;
	s5 =	simm.s32 $0x6800;
	s11 =	simm.s32 $0x3  }
0x1f: {  	s1 =	sadd.s32 s1, s6;
	s23 =	sadd.s32 s4, s6;
	s4 =	simm.s32 $0xA000  }
0x20: {  	s6 =	simm.s32 $0xA800;
	v2 =	vmov s21;
	s21 =	simm.s32 $0x4;
	[dreg:$0xc] =	wrdreg s1  }
0x21: {  	v0 =	vmov s12;
	v1 =	vmov s13;
	[dreg:$0xd] =	wrdreg s23;
	s23 =	simm.s32 $0x8000;
	s1 =	simm.s32 $0x6000  }
.LBB2_1:
0x22: {  	s12 =	rddreg [dreg:$0x5]  }
0x23: {  	[tilespmem:s2], [sflag:$0x1] =	stream.strided.gather [hbm4b:s12+s17], $0x1000, s18, s17, $0x38;
	[tilespmem:$0xC000] =	vst v63  }
0x24: {  	s29 =	rddreg [dreg:$0x6]  }
0x25: {  	[tilespmem:s0], [sflag:$0x1] =	stream.strided.gather [hbm4b:s29+s17], $0x1000, s18, s17, $0x38;
	[tilespmem:$0xC000] =	vst v63  }
0x26: {  	_ =	swait.ge [sflag:s19], $0x1000  }
0x27: {  	[sflag:s19] =	ssyncset.done $0x0  }
0x28: {  	[sflag:s19] =	ssyncadd.s32 $0xFFFFF000  }
0x29: {  	_ =	swait.ge [sflag:s19], $0x1000  }
0x2a: {  	[sflag:s19] =	ssyncset.done $0x0  }
0x2b: {  	s13 =	simm.s32 $0x1000;
	s30 =	rddreg [dreg:$0x7];
	[sflag:s19] =	ssyncadd.s32 $0xFFFFF000  }
0x2c: {  	[tilespmem:s13], [sflag:$0x1] =	stream.strided.gather [hbm4b:s30+s17], $0x1000, s18, s17, $0x38;
	[tilespmem:$0xC000] =	vst v63  }
0x2d: {  	s25 =	simm.s32 $0x3000;
	s24 =	rddreg [dreg:$0x8]  }
0x2e: {  	[tilespmem:s25], [sflag:$0x1] =	stream.strided.gather [hbm4b:s24+s17], $0x1000, s18, s17, $0x38;
	[tilespmem:$0xC000] =	vst v63  }
0x2f: {  	v4 =	vld [tilespmem:s2+$0x0];
	_ =	sdelay $0x3  }
0x30: {  	s29 =	sand.u32 $0x700, s2;
	s30 =	sand.u32 $0x70, s2  }
0x31: {  	s12 =	sor.u32 s30, s29;
	v4 =	vadd.s32 v0, v4  }
0x32: {  	[tilespmem:s12+$0x4000] =	vst v4  }
0x33: {  	v4 =	vld [tilespmem:s0+$0x0];
	_ =	sdelay $0x4  }
0x34: {  	v4 =	vadd.s32 v0, v4  }
0x35: {  	s28 =	simm.s32 $0x40;
	s25 =	simm.s32 $0x10;
	[tilespmem:s12+$0x4080] =	vst v4  }
0x36: {  	s13 =	simm.s32 $0x0;
	s24 =	simm.s32 $0x20;
	s12 =	simm.s32 $0x2000;
	v4 =	vld [tilespmem:s25+$0x0]  }
.LBB2_2:
0x37: {  	p0 =	sne.s32 s28, $0x7E0;
	_ =	sdelay $0x1  }
0x38: {  	s13 =	sadd.s32 $0x10, s13  }
0x39: {  	s29 =	sand.u32 $0x700, s24;
	s24 =	smov.u32 s28;
	s30 =	sand.u32 $0x70, s13  }
0x3a: {  	s29 =	sor.u32 s30, s29;
	v4 =	vadd.s32 v0, v4  }
0x3b: {  	s12 =	sadd.s32 $0x10, s12;
	[tilespmem:s29+$0x4000] =	vst v4  }
0x3c: {  	v4 =	vld [tilespmem:s12+$0x0];
	_ =	sdelay $0x2  }
.Ltmp0:
0x3d: {  	(pc) =	sbr.rel @p0 .LBB2_2-.Ltmp0, $4  }
0x3e: {  	_ = 	snop  }
0x3f: {  	v4 =	vadd.s32 v0, v4  }
0x40: {  	s25 =	sadd.s32 $0x10, s25;
	[tilespmem:s29+$0x4080] =	vst v4  }
0x41: {  	s28 =	sadd.s32 $0x20, s28;
	v4 =	vld [tilespmem:s25+$0x0]  }
0x42: {  	_ =	sdelay $0x1  }
0x43: {  	s13 =	sadd.s32 $0x10, s13  }
0x44: {  	s24 =	sand.u32 $0x700, s24;
	s13 =	sand.u32 $0x70, s13  }
0x45: {  	s13 =	sor.u32 s13, s24;
	v4 =	vadd.s32 v0, v4  }
0x46: {  	s12 =	sadd.s32 $0x10, s12;
	[tilespmem:s13+$0x4000] =	vst v4  }
0x47: {  	v4 =	vld [tilespmem:s12+$0x0];
	_ =	sdelay $0x4  }
0x48: {  	v4 =	vadd.s32 v0, v4  }
0x49: {  	s25 =	simm.s32 $0x800;
	s29 =	simm.s32 $0x4000;
	s12 =	simm.s32 $0x400;
	[tilespmem:s13+$0x4080] =	vst v4  }
0x4a: {  	[tilespmem:s23], [sflag:$0x2] =	stream.indirect.gather [hbm4b:s3+s25], $0x1, s29, s25, $0xb8;
	[tilespmem:$0xC000] =	vst v63  }
0x4b: {  	v4 =	vld [tilespmem:s12+$0x0];
	_ =	sdelay $0x3  }
0x4c: {  	s30 =	sand.u32 $0x70, s12;
	s13 =	sand.u32 $0xF00, s25  }
0x4d: {  	s13 =	sor.u32 s30, s13;
	v4 =	vadd.s32 v0, v4  }
0x4e: {  	s24 =	simm.s32 $0x2400;
	[tilespmem:s13+$0x4000] =	vst v4  }
0x4f: {  	v4 =	vld [tilespmem:s24+$0x0];
	_ =	sdelay $0x4  }
0x50: {  	v4 =	vadd.s32 v0, v4  }
0x51: {  	s25 =	simm.s32 $0x410;
	[tilespmem:s13+$0x4080] =	vst v4  }
0x52: {  	s28 =	simm.s32 $0x840;
	s13 =	simm.s32 $0x820;
	v4 =	vld [tilespmem:s25+$0x0]  }
.LBB2_4:
0x53: {  	p0 =	sne.s32 s28, $0xFE0;
	_ =	sdelay $0x1  }
0x54: {  	s12 =	sadd.s32 $0x10, s12  }
0x55: {  	s29 =	sand.u32 $0xF00, s13;
	s13 =	smov.u32 s28;
	s30 =	sand.u32 $0x70, s12  }
0x56: {  	s29 =	sor.u32 s30, s29;
	v4 =	vadd.s32 v0, v4  }
0x57: {  	s24 =	sadd.s32 $0x10, s24;
	[tilespmem:s29+$0x4000] =	vst v4  }
0x58: {  	v4 =	vld [tilespmem:s24+$0x0];
	_ =	sdelay $0x2  }
.Ltmp1:
0x59: {  	(pc) =	sbr.rel @p0 .LBB2_4-.Ltmp1, $4  }
0x5a: {  	_ = 	snop  }
0x5b: {  	v4 =	vadd.s32 v0, v4  }
0x5c: {  	s25 =	sadd.s32 $0x10, s25;
	[tilespmem:s29+$0x4080] =	vst v4  }
0x5d: {  	s28 =	sadd.s32 $0x20, s28;
	v4 =	vld [tilespmem:s25+$0x0]  }
0x5e: {  	_ =	sdelay $0x1  }
0x5f: {  	s12 =	sadd.s32 $0x10, s12  }
0x60: {  	s13 =	sand.u32 $0xF00, s13;
	s12 =	sand.u32 $0x70, s12  }
0x61: {  	s12 =	sor.u32 s12, s13;
	v4 =	vadd.s32 v0, v4  }
0x62: {  	s30 =	sadd.s32 $0x10, s24;
	[tilespmem:s12+$0x4000] =	vst v4  }
0x63: {  	v4 =	vld [tilespmem:s30+$0x0];
	_ =	sdelay $0x4  }
0x64: {  	v4 =	vadd.s32 v0, v4  }
0x65: {  	s24 =	simm.s32 $0x4800;
	s25 =	simm.s32 $0x8800;
	[tilespmem:s12+$0x4080] =	vst v4;
	s12 =	simm.s32 $0x800  }
0x66: {  	[tilespmem:s25], [sflag:$0x2] =	stream.indirect.gather [hbm4b:s3+s12], $0x1, s24, s12, $0xb8;
	[tilespmem:$0xC000] =	vst v63  }
0x67: {  	v4 =	vld [tilespmem:s12+$0x0];
	_ =	sdelay $0x2  }
0x68: {  	s29 =	simm.s32 $0x1000  }
0x69: {  	s13 =	sand.u32 $0x1F00, s29;
	s30 =	sand.u32 $0x70, s12  }
0x6a: {  	s13 =	sor.u32 s30, s13;
	v4 =	vadd.s32 v0, v4  }
0x6b: {  	s24 =	simm.s32 $0x2800;
	[tilespmem:s13+$0x4000] =	vst v4  }
0x6c: {  	v4 =	vld [tilespmem:s24+$0x0];
	_ =	sdelay $0x4  }
0x6d: {  	v4 =	vadd.s32 v0, v4  }
0x6e: {  	s25 =	simm.s32 $0x810;
	[tilespmem:s13+$0x4080] =	vst v4  }
0x6f: {  	s28 =	simm.s32 $0x1040;
	s13 =	simm.s32 $0x1020;
	v4 =	vld [tilespmem:s25+$0x0]  }
.LBB2_6:
0x70: {  	p0 =	sne.s32 s28, $0x17E0;
	_ =	sdelay $0x1  }
0x71: {  	s12 =	sadd.s32 $0x10, s12  }
0x72: {  	s29 =	sand.u32 $0x1F00, s13;
	s13 =	smov.u32 s28;
	s30 =	sand.u32 $0x70, s12  }
0x73: {  	s29 =	sor.u32 s30, s29;
	v4 =	vadd.s32 v0, v4  }
0x74: {  	s24 =	sadd.s32 $0x10, s24;
	[tilespmem:s29+$0x4000] =	vst v4  }
0x75: {  	v4 =	vld [tilespmem:s24+$0x0];
	_ =	sdelay $0x2  }
.Ltmp2:
0x76: {  	(pc) =	sbr.rel @p0 .LBB2_6-.Ltmp2, $4  }
0x77: {  	_ = 	snop  }
0x78: {  	v4 =	vadd.s32 v0, v4  }
0x79: {  	s25 =	sadd.s32 $0x10, s25;
	[tilespmem:s29+$0x4080] =	vst v4  }
0x7a: {  	s28 =	sadd.s32 $0x20, s28;
	v4 =	vld [tilespmem:s25+$0x0]  }
0x7b: {  	_ =	sdelay $0x1  }
0x7c: {  	s12 =	sadd.s32 $0x10, s12  }
0x7d: {  	s13 =	sand.u32 $0x1F00, s13;
	s12 =	sand.u32 $0x70, s12  }
0x7e: {  	s12 =	sor.u32 s12, s13;
	v4 =	vadd.s32 v0, v4  }
0x7f: {  	s30 =	sadd.s32 $0x10, s24;
	[tilespmem:s12+$0x4000] =	vst v4  }
0x80: {  	v4 =	vld [tilespmem:s30+$0x0];
	_ =	sdelay $0x4  }
0x81: {  	v4 =	vadd.s32 v0, v4  }
0x82: {  	s24 =	simm.s32 $0x5000;
	s25 =	simm.s32 $0x9000;
	[tilespmem:s12+$0x4080] =	vst v4;
	s12 =	simm.s32 $0xC00  }
0x83: {  	[tilespmem:s25], [sflag:$0x2] =	stream.indirect.gather [hbm4b:s3+s26], $0x1, s24, s26, $0xb8;
	[tilespmem:$0xC000] =	vst v63  }
0x84: {  	v4 =	vld [tilespmem:s12+$0x0];
	_ =	sdelay $0x2  }
0x85: {  	s29 =	simm.s32 $0x1800  }
0x86: {  	s13 =	sand.u32 $0x1F00, s29;
	s30 =	sand.u32 $0x70, s12  }
0x87: {  	s13 =	sor.u32 s30, s13;
	v4 =	vadd.s32 v0, v4  }
0x88: {  	s24 =	simm.s32 $0x2C00;
	[tilespmem:s13+$0x4000] =	vst v4  }
0x89: {  	v4 =	vld [tilespmem:s24+$0x0];
	_ =	sdelay $0x4  }
0x8a: {  	v4 =	vadd.s32 v0, v4  }
0x8b: {  	s25 =	simm.s32 $0xC10;
	[tilespmem:s13+$0x4080] =	vst v4  }
0x8c: {  	s28 =	simm.s32 $0x1840;
	s13 =	simm.s32 $0x1820;
	v4 =	vld [tilespmem:s25+$0x0]  }
.LBB2_8:
0x8d: {  	p0 =	sne.s32 s28, $0x1FE0;
	_ =	sdelay $0x1  }
0x8e: {  	s12 =	sadd.s32 $0x10, s12  }
0x8f: {  	s29 =	sand.u32 $0x1F00, s13;
	s13 =	smov.u32 s28;
	s30 =	sand.u32 $0x70, s12  }
0x90: {  	s29 =	sor.u32 s30, s29;
	v4 =	vadd.s32 v0, v4  }
0x91: {  	s24 =	sadd.s32 $0x10, s24;
	[tilespmem:s29+$0x4000] =	vst v4  }
0x92: {  	v4 =	vld [tilespmem:s24+$0x0];
	_ =	sdelay $0x2  }
.Ltmp3:
0x93: {  	(pc) =	sbr.rel @p0 .LBB2_8-.Ltmp3, $4  }
0x94: {  	_ = 	snop  }
0x95: {  	v4 =	vadd.s32 v0, v4  }
0x96: {  	s25 =	sadd.s32 $0x10, s25;
	[tilespmem:s29+$0x4080] =	vst v4  }
0x97: {  	s28 =	sadd.s32 $0x20, s28;
	v4 =	vld [tilespmem:s25+$0x0]  }
0x98: {  	_ =	sdelay $0x1  }
0x99: {  	s12 =	sadd.s32 $0x10, s12  }
0x9a: {  	s13 =	sand.u32 $0x1F00, s13;
	s12 =	sand.u32 $0x70, s12  }
0x9b: {  	s12 =	sor.u32 s12, s13;
	v4 =	vadd.s32 v0, v4  }
0x9c: {  	s25 =	sadd.s32 $0x10, s24;
	[tilespmem:s12+$0x4000] =	vst v4  }
0x9d: {  	v4 =	vld [tilespmem:s25+$0x0];
	_ =	sdelay $0x4  }
0x9e: {  	v4 =	vadd.s32 v0, v4  }
0x9f: {  	s29 =	simm.s32 $0x5800;
	[tilespmem:s12+$0x4080] =	vst v4  }
0xa0: {  	[tilespmem:s31], [sflag:$0x2] =	stream.indirect.gather [hbm4b:s3+s26], $0x1, s29, s26, $0xb8;
	[tilespmem:$0xC000] =	vst v63  }
0xa1: {  	_ =	swait.ge [sflag:s19], $0x1000  }
0xa2: {  	[sflag:s19] =	ssyncset.done $0x0  }
0xa3: {  	[sflag:s19] =	ssyncadd.s32 $0xFFFFF000  }
0xa4: {  	_ =	swait.ge [sflag:s19], $0x1000  }
0xa5: {  	[sflag:s19] =	ssyncset.done $0x0  }
0xa6: {  	s12 =	simm.s32 $0x0;
	s30 =	rddreg [dreg:$0x9];
	[sflag:s19] =	ssyncadd.s32 $0xFFFFF000  }
0xa7: {  	[tilespmem:s12], [sflag:$0x1] =	stream.strided.gather [hbm4b:s30+s17], $0x1000, s18, s17, $0x38;
	[tilespmem:$0xC000] =	vst v63  }
0xa8: {  	s25 =	simm.s32 $0x1000;
	s24 =	rddreg [dreg:$0xa]  }
0xa9: {  	[tilespmem:s0], [sflag:$0x1] =	stream.strided.gather [hbm4b:s24+s17], $0x1000, s18, s17, $0x38;
	[tilespmem:$0xC000] =	vst v63  }
0xaa: {  	v4 =	vld [tilespmem:s25+$0x0];
	_ =	sdelay $0x3  }
0xab: {  	s29 =	sand.u32 $0x700, s12;
	s30 =	sand.u32 $0x70, s12  }
0xac: {  	s13 =	sor.u32 s30, s29;
	v4 =	vadd.s32 v1, v4  }
0xad: {  	s24 =	simm.s32 $0x3000;
	[tilespmem:s13+$0x6000] =	vst v4  }
0xae: {  	v4 =	vld [tilespmem:s24+$0x0];
	_ =	sdelay $0x4  }
0xaf: {  	v4 =	vadd.s32 v1, v4  }
0xb0: {  	s25 =	simm.s32 $0x1010;
	[tilespmem:s13+$0x6080] =	vst v4  }
0xb1: {  	s28 =	simm.s32 $0x40;
	s13 =	simm.s32 $0x20;
	v4 =	vld [tilespmem:s25+$0x0]  }
.LBB2_10:
0xb2: {  	p0 =	sne.s32 s28, $0x7E0;
	_ =	sdelay $0x1  }
0xb3: {  	s12 =	sadd.s32 $0x10, s12  }
0xb4: {  	s29 =	sand.u32 $0x700, s13;
	s13 =	smov.u32 s28;
	s30 =	sand.u32 $0x70, s12  }
0xb5: {  	s29 =	sor.u32 s30, s29;
	v4 =	vadd.s32 v1, v4  }
0xb6: {  	s24 =	sadd.s32 $0x10, s24;
	[tilespmem:s29+$0x6000] =	vst v4  }
0xb7: {  	v4 =	vld [tilespmem:s24+$0x0];
	_ =	sdelay $0x2  }
.Ltmp4:
0xb8: {  	(pc) =	sbr.rel @p0 .LBB2_10-.Ltmp4, $4  }
0xb9: {  	_ = 	snop  }
0xba: {  	v4 =	vadd.s32 v1, v4  }
0xbb: {  	s25 =	sadd.s32 $0x10, s25;
	[tilespmem:s29+$0x6080] =	vst v4  }
0xbc: {  	s28 =	sadd.s32 $0x20, s28;
	v4 =	vld [tilespmem:s25+$0x0]  }
0xbd: {  	_ =	sdelay $0x1  }
0xbe: {  	s12 =	sadd.s32 $0x10, s12  }
0xbf: {  	s13 =	sand.u32 $0x700, s13;
	s12 =	sand.u32 $0x70, s12  }
0xc0: {  	s12 =	sor.u32 s12, s13;
	v4 =	vadd.s32 v1, v4  }
0xc1: {  	s24 =	sadd.s32 $0x10, s24;
	[tilespmem:s12+$0x6000] =	vst v4  }
0xc2: {  	v4 =	vld [tilespmem:s24+$0x0];
	_ =	sdelay $0x4  }
0xc3: {  	v4 =	vadd.s32 v1, v4  }
0xc4: {  	s25 =	simm.s32 $0x800;
	s29 =	simm.s32 $0x1400;
	[tilespmem:s12+$0x6080] =	vst v4  }
0xc5: {  	[tilespmem:s4], [sflag:$0x3] =	stream.indirect.gather [hbm4b:s3+s25], $0x1, s1, s25, $0xb8;
	[tilespmem:$0xC000] =	vst v63  }
0xc6: {  	v4 =	vld [tilespmem:s29+$0x0];
	_ =	sdelay $0x2  }
0xc7: {  	s24 =	simm.s32 $0x400  }
0xc8: {  	s30 =	sand.u32 $0x70, s24;
	s12 =	sand.u32 $0xF00, s25  }
0xc9: {  	s13 =	sor.u32 s30, s12;
	v4 =	vadd.s32 v1, v4  }
0xca: {  	s12 =	simm.s32 $0x3400;
	[tilespmem:s13+$0x6000] =	vst v4  }
0xcb: {  	v4 =	vld [tilespmem:s12+$0x0];
	_ =	sdelay $0x4  }
0xcc: {  	v4 =	vadd.s32 v1, v4  }
0xcd: {  	s25 =	simm.s32 $0x1410;
	[tilespmem:s13+$0x6080] =	vst v4  }
0xce: {  	s28 =	simm.s32 $0x840;
	s13 =	simm.s32 $0x820;
	v4 =	vld [tilespmem:s25+$0x0]  }
.LBB2_12:
0xcf: {  	p0 =	sne.s32 s28, $0xFE0;
	_ =	sdelay $0x1  }
0xd0: {  	s24 =	sadd.s32 $0x10, s24  }
0xd1: {  	s29 =	sand.u32 $0xF00, s13;
	s13 =	smov.u32 s28;
	s30 =	sand.u32 $0x70, s24  }
0xd2: {  	s29 =	sor.u32 s30, s29;
	v4 =	vadd.s32 v1, v4  }
0xd3: {  	s12 =	sadd.s32 $0x10, s12;
	[tilespmem:s29+$0x6000] =	vst v4  }
0xd4: {  	v4 =	vld [tilespmem:s12+$0x0];
	_ =	sdelay $0x2  }
.Ltmp5:
0xd5: {  	(pc) =	sbr.rel @p0 .LBB2_12-.Ltmp5, $4  }
0xd6: {  	_ = 	snop  }
0xd7: {  	v4 =	vadd.s32 v1, v4  }
0xd8: {  	s25 =	sadd.s32 $0x10, s25;
	[tilespmem:s29+$0x6080] =	vst v4  }
0xd9: {  	s28 =	sadd.s32 $0x20, s28;
	v4 =	vld [tilespmem:s25+$0x0]  }
0xda: {  	_ =	sdelay $0x1  }
0xdb: {  	s24 =	sadd.s32 $0x10, s24  }
0xdc: {  	s13 =	sand.u32 $0xF00, s13;
	s24 =	sand.u32 $0x70, s24  }
0xdd: {  	s13 =	sor.u32 s24, s13;
	v4 =	vadd.s32 v1, v4  }
0xde: {  	s12 =	sadd.s32 $0x10, s12;
	[tilespmem:s13+$0x6000] =	vst v4  }
0xdf: {  	v4 =	vld [tilespmem:s12+$0x0];
	_ =	sdelay $0x4  }
0xe0: {  	v4 =	vadd.s32 v1, v4  }
0xe1: {  	s25 =	simm.s32 $0x1800;
	s12 =	simm.s32 $0x800;
	[tilespmem:s13+$0x6080] =	vst v4  }
0xe2: {  	[tilespmem:s6], [sflag:$0x3] =	stream.indirect.gather [hbm4b:s3+s12], $0x1, s5, s12, $0xb8;
	[tilespmem:$0xC000] =	vst v63  }
0xe3: {  	v4 =	vld [tilespmem:s25+$0x0];
	_ =	sdelay $0x2  }
0xe4: {  	s29 =	simm.s32 $0x1000  }
0xe5: {  	s30 =	sand.u32 $0x70, s12;
	s13 =	sand.u32 $0x1F00, s29  }
0xe6: {  	s13 =	sor.u32 s30, s13;
	v4 =	vadd.s32 v1, v4  }
0xe7: {  	s24 =	simm.s32 $0x3800;
	[tilespmem:s13+$0x6000] =	vst v4  }
0xe8: {  	v4 =	vld [tilespmem:s24+$0x0];
	_ =	sdelay $0x4  }
0xe9: {  	v4 =	vadd.s32 v1, v4  }
0xea: {  	s25 =	simm.s32 $0x1810;
	[tilespmem:s13+$0x6080] =	vst v4  }
0xeb: {  	s28 =	simm.s32 $0x1040;
	s13 =	simm.s32 $0x1020;
	v4 =	vld [tilespmem:s25+$0x0]  }
.LBB2_14:
0xec: {  	p0 =	sne.s32 s28, $0x17E0;
	_ =	sdelay $0x1  }
0xed: {  	s12 =	sadd.s32 $0x10, s12  }
0xee: {  	s29 =	sand.u32 $0x1F00, s13;
	s13 =	smov.u32 s28;
	s30 =	sand.u32 $0x70, s12  }
0xef: {  	s29 =	sor.u32 s30, s29;
	v4 =	vadd.s32 v1, v4  }
0xf0: {  	s24 =	sadd.s32 $0x10, s24;
	[tilespmem:s29+$0x6000] =	vst v4  }
0xf1: {  	v4 =	vld [tilespmem:s24+$0x0];
	_ =	sdelay $0x2  }
.Ltmp6:
0xf2: {  	(pc) =	sbr.rel @p0 .LBB2_14-.Ltmp6, $4  }
0xf3: {  	_ = 	snop  }
0xf4: {  	v4 =	vadd.s32 v1, v4  }
0xf5: {  	s25 =	sadd.s32 $0x10, s25;
	[tilespmem:s29+$0x6080] =	vst v4  }
0xf6: {  	s28 =	sadd.s32 $0x20, s28;
	v4 =	vld [tilespmem:s25+$0x0]  }
0xf7: {  	_ =	sdelay $0x1  }
0xf8: {  	s12 =	sadd.s32 $0x10, s12  }
0xf9: {  	s13 =	sand.u32 $0x1F00, s13;
	s12 =	sand.u32 $0x70, s12  }
0xfa: {  	s12 =	sor.u32 s12, s13;
	v4 =	vadd.s32 v1, v4  }
0xfb: {  	s24 =	sadd.s32 $0x10, s24;
	[tilespmem:s12+$0x6000] =	vst v4  }
0xfc: {  	v4 =	vld [tilespmem:s24+$0x0];
	_ =	sdelay $0x4  }
0xfd: {  	v4 =	vadd.s32 v1, v4  }
0xfe: {  	s25 =	simm.s32 $0x1C00;
	[tilespmem:s12+$0x6080] =	vst v4  }
0xff: {  	[tilespmem:s8], [sflag:$0x3] =	stream.indirect.gather [hbm4b:s3+s26], $0x1, s7, s26, $0xb8;
	[tilespmem:$0xC000] =	vst v63  }
0x100: {  	v4 =	vld [tilespmem:s25+$0x0];
	_ =	sdelay $0x2  }
0x101: {  	s29 =	simm.s32 $0x1800;
	s24 =	simm.s32 $0xC00  }
0x102: {  	s30 =	sand.u32 $0x70, s24;
	s12 =	sand.u32 $0x1F00, s29  }
0x103: {  	s13 =	sor.u32 s30, s12;
	v4 =	vadd.s32 v1, v4  }
0x104: {  	s12 =	simm.s32 $0x3C00;
	[tilespmem:s13+$0x6000] =	vst v4  }
0x105: {  	v4 =	vld [tilespmem:s12+$0x0];
	_ =	sdelay $0x4  }
0x106: {  	v4 =	vadd.s32 v1, v4  }
0x107: {  	s25 =	simm.s32 $0x1C10;
	[tilespmem:s13+$0x6080] =	vst v4  }
0x108: {  	s28 =	simm.s32 $0x1840;
	s13 =	simm.s32 $0x1820;
	v4 =	vld [tilespmem:s25+$0x0]  }
.LBB2_16:
0x109: {  	p0 =	sne.s32 s28, $0x1FE0;
	_ =	sdelay $0x1  }
0x10a: {  	s24 =	sadd.s32 $0x10, s24  }
0x10b: {  	s29 =	sand.u32 $0x1F00, s13;
	s13 =	smov.u32 s28;
	s30 =	sand.u32 $0x70, s24  }
0x10c: {  	s29 =	sor.u32 s30, s29;
	v4 =	vadd.s32 v1, v4  }
0x10d: {  	s12 =	sadd.s32 $0x10, s12;
	[tilespmem:s29+$0x6000] =	vst v4  }
0x10e: {  	v4 =	vld [tilespmem:s12+$0x0];
	_ =	sdelay $0x2  }
.Ltmp7:
0x10f: {  	(pc) =	sbr.rel @p0 .LBB2_16-.Ltmp7, $4  }
0x110: {  	_ = 	snop  }
0x111: {  	v4 =	vadd.s32 v1, v4  }
0x112: {  	s25 =	sadd.s32 $0x10, s25;
	[tilespmem:s29+$0x6080] =	vst v4  }
0x113: {  	s28 =	sadd.s32 $0x20, s28;
	v4 =	vld [tilespmem:s25+$0x0]  }
0x114: {  	_ =	sdelay $0x1  }
0x115: {  	s24 =	sadd.s32 $0x10, s24  }
0x116: {  	s13 =	sand.u32 $0x1F00, s13;
	s24 =	sand.u32 $0x70, s24  }
0x117: {  	s13 =	sor.u32 s24, s13;
	v4 =	vadd.s32 v1, v4  }
0x118: {  	s12 =	sadd.s32 $0x10, s12;
	[tilespmem:s13+$0x6000] =	vst v4  }
0x119: {  	v4 =	vld [tilespmem:s12+$0x0];
	_ =	sdelay $0x4  }
0x11a: {  	v4 =	vadd.s32 v1, v4  }
0x11b: {  	[tilespmem:s13+$0x6080] =	vst v4  }
0x11c: {  	[tilespmem:s20], [sflag:$0x3] =	stream.indirect.gather [hbm4b:s3+s26], $0x1, s9, s26, $0xb8;
	[tilespmem:$0xC000] =	vst v63  }
0x11d: {  	_ =	swait.ge [sflag:s10], $0x800  }
0x11e: {  	[sflag:s10] =	ssyncset.done $0x0  }
0x11f: {  	[sflag:s10] =	ssyncadd.s32 $0xFFFFF800  }
0x120: {  	_ =	swait.ge [sflag:s10], $0x800  }
0x121: {  	[sflag:s10] =	ssyncset.done $0x0  }
0x122: {  	[sflag:s10] =	ssyncadd.s32 $0xFFFFF800  }
0x123: {  	_ =	swait.ge [sflag:s10], $0x800  }
0x124: {  	[sflag:s10] =	ssyncset.done $0x0  }
0x125: {  	[sflag:s10] =	ssyncadd.s32 $0xFFFFF800  }
0x126: {  	_ =	swait.ge [sflag:s10], $0x800  }
0x127: {  	[sflag:s10] =	ssyncset.done $0x0  }
0x128: {  	s12 =	simm.s32 $0x0;
	s25 =	rddreg [dreg:$0xb];
	[sflag:s10] =	ssyncadd.s32 $0xFFFFF800  }
0x129: {  	[hbm4b:s25+s12] =	stream.linear.scatter [tilespmem:s23], [sflag:$0x4], $0x2000, $0x38;
	[tilespmem:$0xC000] =	vst v63  }
0x12a: {  	_ =	swait.ge [sflag:s19], $0x1000  }
0x12b: {  	[sflag:s19] =	ssyncset.done $0x0  }
0x12c: {  	[sflag:s19] =	ssyncadd.s32 $0xFFFFF000  }
0x12d: {  	_ =	swait.ge [sflag:s19], $0x1000  }
0x12e: {  	[sflag:s19] =	ssyncset.done $0x0  }
0x12f: {  	s30 =	simm.s32 $0x1000;
	s29 =	rddreg [dreg:$0xc];
	[sflag:s19] =	ssyncadd.s32 $0xFFFFF000  }
0x130: {  	[tilespmem:s30], [sflag:$0x1] =	stream.strided.gather [hbm4b:s29+s17], $0x1000, s18, s17, $0x38;
	[tilespmem:$0xC000] =	vst v63  }
0x131: {  	s25 =	simm.s32 $0x3000;
	s24 =	rddreg [dreg:$0xd]  }
0x132: {  	[tilespmem:s25], [sflag:$0x1] =	stream.strided.gather [hbm4b:s24+s17], $0x1000, s18, s17, $0x38;
	[tilespmem:$0xC000] =	vst v63  }
0x133: {  	_ =	swait.ge [sflag:s21], $0x2000  }
0x134: {  	[sflag:s21] =	ssyncset.done $0x0  }
0x135: {  	[sflag:s21] =	ssyncadd.s32 $0xFFFFE000  }
0x136: {  	v4 =	vld [tilespmem:s12+$0x0];
	_ =	sdelay $0x3  }
0x137: {  	s29 =	sand.u32 $0x700, s12;
	s30 =	sand.u32 $0x70, s12  }
0x138: {  	s13 =	sor.u32 s30, s29;
	v4 =	vadd.s32 v2, v4  }
0x139: {  	s24 =	simm.s32 $0x2000;
	[tilespmem:s13+$0x4000] =	vst v4  }
0x13a: {  	v4 =	vld [tilespmem:s24+$0x0];
	_ =	sdelay $0x4  }
0x13b: {  	v4 =	vadd.s32 v2, v4  }
0x13c: {  	s25 =	simm.s32 $0x10;
	[tilespmem:s13+$0x4080] =	vst v4  }
0x13d: {  	s28 =	simm.s32 $0x40;
	s13 =	simm.s32 $0x20;
	v4 =	vld [tilespmem:s25+$0x0]  }
.LBB2_18:
0x13e: {  	p0 =	sne.s32 s28, $0x7E0;
	_ =	sdelay $0x1  }
0x13f: {  	s12 =	sadd.s32 $0x10, s12  }
0x140: {  	s29 =	sand.u32 $0x700, s13;
	s13 =	smov.u32 s28;
	s30 =	sand.u32 $0x70, s12  }
0x141: {  	s29 =	sor.u32 s30, s29;
	v4 =	vadd.s32 v2, v4  }
0x142: {  	s24 =	sadd.s32 $0x10, s24;
	[tilespmem:s29+$0x4000] =	vst v4  }
0x143: {  	v4 =	vld [tilespmem:s24+$0x0];
	_ =	sdelay $0x2  }
.Ltmp8:
0x144: {  	(pc) =	sbr.rel @p0 .LBB2_18-.Ltmp8, $4  }
0x145: {  	_ = 	snop  }
0x146: {  	v4 =	vadd.s32 v2, v4  }
0x147: {  	s25 =	sadd.s32 $0x10, s25;
	[tilespmem:s29+$0x4080] =	vst v4  }
0x148: {  	s28 =	sadd.s32 $0x20, s28;
	v4 =	vld [tilespmem:s25+$0x0]  }
0x149: {  	_ =	sdelay $0x1  }
0x14a: {  	s12 =	sadd.s32 $0x10, s12  }
0x14b: {  	s13 =	sand.u32 $0x700, s13;
	s12 =	sand.u32 $0x70, s12  }
0x14c: {  	s12 =	sor.u32 s12, s13;
	v4 =	vadd.s32 v2, v4  }
0x14d: {  	s24 =	sadd.s32 $0x10, s24;
	[tilespmem:s12+$0x4000] =	vst v4  }
0x14e: {  	v4 =	vld [tilespmem:s24+$0x0];
	_ =	sdelay $0x4  }
0x14f: {  	v4 =	vadd.s32 v2, v4  }
0x150: {  	s25 =	simm.s32 $0x800;
	s29 =	simm.s32 $0x4000;
	[tilespmem:s12+$0x4080] =	vst v4;
	s12 =	simm.s32 $0x400  }
0x151: {  	[tilespmem:s23], [sflag:$0x2] =	stream.indirect.gather [hbm4b:s3+s25], $0x1, s29, s25, $0xb8;
	[tilespmem:$0xC000] =	vst v63  }
0x152: {  	v4 =	vld [tilespmem:s12+$0x0];
	_ =	sdelay $0x3  }
0x153: {  	s13 =	sand.u32 $0xF00, s25;
	s30 =	sand.u32 $0x70, s12  }
0x154: {  	s13 =	sor.u32 s30, s13;
	v4 =	vadd.s32 v2, v4  }
0x155: {  	s24 =	simm.s32 $0x2400;
	[tilespmem:s13+$0x4000] =	vst v4  }
0x156: {  	v4 =	vld [tilespmem:s24+$0x0];
	_ =	sdelay $0x4  }
0x157: {  	v4 =	vadd.s32 v2, v4  }
0x158: {  	s25 =	simm.s32 $0x410;
	[tilespmem:s13+$0x4080] =	vst v4  }
0x159: {  	s28 =	simm.s32 $0x840;
	s13 =	simm.s32 $0x820;
	v4 =	vld [tilespmem:s25+$0x0]  }
.LBB2_20:
0x15a: {  	p0 =	sne.s32 s28, $0xFE0;
	_ =	sdelay $0x1  }
0x15b: {  	s12 =	sadd.s32 $0x10, s12  }
0x15c: {  	s29 =	sand.u32 $0xF00, s13;
	s13 =	smov.u32 s28;
	s30 =	sand.u32 $0x70, s12  }
0x15d: {  	s29 =	sor.u32 s30, s29;
	v4 =	vadd.s32 v2, v4  }
0x15e: {  	s24 =	sadd.s32 $0x10, s24;
	[tilespmem:s29+$0x4000] =	vst v4  }
0x15f: {  	v4 =	vld [tilespmem:s24+$0x0];
	_ =	sdelay $0x2  }
.Ltmp9:
0x160: {  	(pc) =	sbr.rel @p0 .LBB2_20-.Ltmp9, $4  }
0x161: {  	_ = 	snop  }
0x162: {  	v4 =	vadd.s32 v2, v4  }
0x163: {  	s25 =	sadd.s32 $0x10, s25;
	[tilespmem:s29+$0x4080] =	vst v4  }
0x164: {  	s28 =	sadd.s32 $0x20, s28;
	v4 =	vld [tilespmem:s25+$0x0]  }
0x165: {  	_ =	sdelay $0x1  }
0x166: {  	s12 =	sadd.s32 $0x10, s12  }
0x167: {  	s13 =	sand.u32 $0xF00, s13;
	s12 =	sand.u32 $0x70, s12  }
0x168: {  	s12 =	sor.u32 s12, s13;
	v4 =	vadd.s32 v2, v4  }
0x169: {  	s30 =	sadd.s32 $0x10, s24;
	[tilespmem:s12+$0x4000] =	vst v4  }
0x16a: {  	v4 =	vld [tilespmem:s30+$0x0];
	_ =	sdelay $0x4  }
0x16b: {  	v4 =	vadd.s32 v2, v4  }
0x16c: {  	s24 =	simm.s32 $0x4800;
	s25 =	simm.s32 $0x8800;
	[tilespmem:s12+$0x4080] =	vst v4;
	s12 =	simm.s32 $0x800  }
0x16d: {  	[tilespmem:s25], [sflag:$0x2] =	stream.indirect.gather [hbm4b:s3+s12], $0x1, s24, s12, $0xb8;
	[tilespmem:$0xC000] =	vst v63  }
0x16e: {  	v4 =	vld [tilespmem:s12+$0x0];
	_ =	sdelay $0x2  }
0x16f: {  	s29 =	simm.s32 $0x1000  }
0x170: {  	s13 =	sand.u32 $0x1F00, s29;
	s30 =	sand.u32 $0x70, s12  }
0x171: {  	s13 =	sor.u32 s30, s13;
	v4 =	vadd.s32 v2, v4  }
0x172: {  	s24 =	simm.s32 $0x2800;
	[tilespmem:s13+$0x4000] =	vst v4  }
0x173: {  	v4 =	vld [tilespmem:s24+$0x0];
	_ =	sdelay $0x4  }
0x174: {  	v4 =	vadd.s32 v2, v4  }
0x175: {  	s25 =	simm.s32 $0x810;
	[tilespmem:s13+$0x4080] =	vst v4  }
0x176: {  	s28 =	simm.s32 $0x1040;
	s13 =	simm.s32 $0x1020;
	v4 =	vld [tilespmem:s25+$0x0]  }
.LBB2_22:
0x177: {  	p0 =	sne.s32 s28, $0x17E0;
	_ =	sdelay $0x1  }
0x178: {  	s12 =	sadd.s32 $0x10, s12  }
0x179: {  	s29 =	sand.u32 $0x1F00, s13;
	s13 =	smov.u32 s28;
	s30 =	sand.u32 $0x70, s12  }
0x17a: {  	s29 =	sor.u32 s30, s29;
	v4 =	vadd.s32 v2, v4  }
0x17b: {  	s24 =	sadd.s32 $0x10, s24;
	[tilespmem:s29+$0x4000] =	vst v4  }
0x17c: {  	v4 =	vld [tilespmem:s24+$0x0];
	_ =	sdelay $0x2  }
.Ltmp10:
0x17d: {  	(pc) =	sbr.rel @p0 .LBB2_22-.Ltmp10, $4  }
0x17e: {  	_ = 	snop  }
0x17f: {  	v4 =	vadd.s32 v2, v4  }
0x180: {  	s25 =	sadd.s32 $0x10, s25;
	[tilespmem:s29+$0x4080] =	vst v4  }
0x181: {  	s28 =	sadd.s32 $0x20, s28;
	v4 =	vld [tilespmem:s25+$0x0]  }
0x182: {  	_ =	sdelay $0x1  }
0x183: {  	s12 =	sadd.s32 $0x10, s12  }
0x184: {  	s13 =	sand.u32 $0x1F00, s13;
	s12 =	sand.u32 $0x70, s12  }
0x185: {  	s12 =	sor.u32 s12, s13;
	v4 =	vadd.s32 v2, v4  }
0x186: {  	s30 =	sadd.s32 $0x10, s24;
	[tilespmem:s12+$0x4000] =	vst v4  }
0x187: {  	v4 =	vld [tilespmem:s30+$0x0];
	_ =	sdelay $0x4  }
0x188: {  	v4 =	vadd.s32 v2, v4  }
0x189: {  	s24 =	simm.s32 $0x5000;
	s25 =	simm.s32 $0x9000;
	[tilespmem:s12+$0x4080] =	vst v4;
	s12 =	simm.s32 $0xC00  }
0x18a: {  	[tilespmem:s25], [sflag:$0x2] =	stream.indirect.gather [hbm4b:s3+s26], $0x1, s24, s26, $0xb8;
	[tilespmem:$0xC000] =	vst v63  }
0x18b: {  	v4 =	vld [tilespmem:s12+$0x0];
	_ =	sdelay $0x2  }
0x18c: {  	s29 =	simm.s32 $0x1800  }
0x18d: {  	s13 =	sand.u32 $0x1F00, s29;
	s30 =	sand.u32 $0x70, s12  }
0x18e: {  	s13 =	sor.u32 s30, s13;
	v4 =	vadd.s32 v2, v4  }
0x18f: {  	s24 =	simm.s32 $0x2C00;
	[tilespmem:s13+$0x4000] =	vst v4  }
0x190: {  	v4 =	vld [tilespmem:s24+$0x0];
	_ =	sdelay $0x4  }
0x191: {  	v4 =	vadd.s32 v2, v4  }
0x192: {  	s25 =	simm.s32 $0xC10;
	[tilespmem:s13+$0x4080] =	vst v4  }
0x193: {  	s28 =	simm.s32 $0x1840;
	s13 =	simm.s32 $0x1820;
	v4 =	vld [tilespmem:s25+$0x0]  }
.LBB2_24:
0x194: {  	p0 =	sne.s32 s28, $0x1FE0;
	_ =	sdelay $0x1  }
0x195: {  	s12 =	sadd.s32 $0x10, s12  }
0x196: {  	s29 =	sand.u32 $0x1F00, s13;
	s13 =	smov.u32 s28;
	s30 =	sand.u32 $0x70, s12  }
0x197: {  	s29 =	sor.u32 s30, s29;
	v4 =	vadd.s32 v2, v4  }
0x198: {  	s24 =	sadd.s32 $0x10, s24;
	[tilespmem:s29+$0x4000] =	vst v4  }
0x199: {  	v4 =	vld [tilespmem:s24+$0x0];
	_ =	sdelay $0x2  }
.Ltmp11:
0x19a: {  	(pc) =	sbr.rel @p0 .LBB2_24-.Ltmp11, $4  }
0x19b: {  	_ = 	snop  }
0x19c: {  	v4 =	vadd.s32 v2, v4  }
0x19d: {  	s25 =	sadd.s32 $0x10, s25;
	[tilespmem:s29+$0x4080] =	vst v4  }
0x19e: {  	s28 =	sadd.s32 $0x20, s28;
	v4 =	vld [tilespmem:s25+$0x0]  }
0x19f: {  	_ =	sdelay $0x1  }
0x1a0: {  	s12 =	sadd.s32 $0x10, s12  }
0x1a1: {  	s13 =	sand.u32 $0x1F00, s13;
	s12 =	sand.u32 $0x70, s12  }
0x1a2: {  	s12 =	sor.u32 s12, s13;
	v4 =	vadd.s32 v2, v4  }
0x1a3: {  	s30 =	sadd.s32 $0x10, s24;
	[tilespmem:s12+$0x4000] =	vst v4  }
0x1a4: {  	v4 =	vld [tilespmem:s30+$0x0];
	_ =	sdelay $0x4  }
0x1a5: {  	v4 =	vadd.s32 v2, v4  }
0x1a6: {  	s13 =	simm.s32 $0x5800;
	[tilespmem:s12+$0x4080] =	vst v4  }
0x1a7: {  	[tilespmem:s31], [sflag:$0x2] =	stream.indirect.gather [hbm4b:s3+s26], $0x1, s13, s26, $0xb8;
	[tilespmem:$0xC000] =	vst v63  }
0x1a8: {  	_ =	swait.ge [sflag:s11], $0x800  }
0x1a9: {  	[sflag:s11] =	ssyncset.done $0x0  }
0x1aa: {  	[sflag:s11] =	ssyncadd.s32 $0xFFFFF800  }
0x1ab: {  	_ =	swait.ge [sflag:s11], $0x800  }
0x1ac: {  	[sflag:s11] =	ssyncset.done $0x0  }
0x1ad: {  	[sflag:s11] =	ssyncadd.s32 $0xFFFFF800  }
0x1ae: {  	_ =	swait.ge [sflag:s11], $0x800  }
0x1af: {  	[sflag:s11] =	ssyncset.done $0x0  }
0x1b0: {  	[sflag:s11] =	ssyncadd.s32 $0xFFFFF800  }
0x1b1: {  	_ =	swait.ge [sflag:s11], $0x800  }
0x1b2: {  	[sflag:s11] =	ssyncset.done $0x0  }
0x1b3: {  	s12 =	simm.s32 $0x0;
	s24 =	rddreg [dreg:$0xe];
	[sflag:s11] =	ssyncadd.s32 $0xFFFFF800  }
0x1b4: {  	[hbm4b:s24+s12] =	stream.linear.scatter [tilespmem:s4], [sflag:$0x4], $0x2000, $0x38;
	[tilespmem:$0xC000] =	vst v63  }
0x1b5: {  	_ =	swait.ge [sflag:s19], $0x1000  }
0x1b6: {  	[sflag:s19] =	ssyncset.done $0x0  }
0x1b7: {  	[sflag:s19] =	ssyncadd.s32 $0xFFFFF000  }
0x1b8: {  	_ =	swait.ge [sflag:s19], $0x1000  }
0x1b9: {  	[sflag:s19] =	ssyncset.done $0x0  }
0x1ba: {  	[sflag:s19] =	ssyncadd.s32 $0xFFFFF000  }
0x1bb: {  	_ =	swait.ge [sflag:s21], $0x2000  }
0x1bc: {  	[sflag:s21] =	ssyncset.done $0x0  }
0x1bd: {  	s25 =	simm.s32 $0x1000;
	[sflag:s21] =	ssyncadd.s32 $0xFFFFE000  }
0x1be: {  	v4 =	vld [tilespmem:s25+$0x0];
	_ =	sdelay $0x3  }
0x1bf: {  	s29 =	sand.u32 $0x700, s12;
	s30 =	sand.u32 $0x70, s12  }
0x1c0: {  	s13 =	sor.u32 s30, s29;
	v4 =	vadd.s32 v3, v4  }
0x1c1: {  	s24 =	simm.s32 $0x3000;
	[tilespmem:s13+$0x6000] =	vst v4  }
0x1c2: {  	v4 =	vld [tilespmem:s24+$0x0];
	_ =	sdelay $0x4  }
0x1c3: {  	v4 =	vadd.s32 v3, v4  }
0x1c4: {  	s25 =	simm.s32 $0x1010;
	[tilespmem:s13+$0x6080] =	vst v4  }
0x1c5: {  	s28 =	simm.s32 $0x40;
	s13 =	simm.s32 $0x20;
	v4 =	vld [tilespmem:s25+$0x0]  }
.LBB2_26:
0x1c6: {  	p0 =	sne.s32 s28, $0x7E0;
	_ =	sdelay $0x1  }
0x1c7: {  	s12 =	sadd.s32 $0x10, s12  }
0x1c8: {  	s29 =	sand.u32 $0x700, s13;
	s13 =	smov.u32 s28;
	s30 =	sand.u32 $0x70, s12  }
0x1c9: {  	s29 =	sor.u32 s30, s29;
	v4 =	vadd.s32 v3, v4  }
0x1ca: {  	s24 =	sadd.s32 $0x10, s24;
	[tilespmem:s29+$0x6000] =	vst v4  }
0x1cb: {  	v4 =	vld [tilespmem:s24+$0x0];
	_ =	sdelay $0x2  }
.Ltmp12:
0x1cc: {  	(pc) =	sbr.rel @p0 .LBB2_26-.Ltmp12, $4  }
0x1cd: {  	_ = 	snop  }
0x1ce: {  	v4 =	vadd.s32 v3, v4  }
0x1cf: {  	s25 =	sadd.s32 $0x10, s25;
	[tilespmem:s29+$0x6080] =	vst v4  }
0x1d0: {  	s28 =	sadd.s32 $0x20, s28;
	v4 =	vld [tilespmem:s25+$0x0]  }
0x1d1: {  	_ =	sdelay $0x1  }
0x1d2: {  	s12 =	sadd.s32 $0x10, s12  }
0x1d3: {  	s13 =	sand.u32 $0x700, s13;
	s12 =	sand.u32 $0x70, s12  }
0x1d4: {  	s12 =	sor.u32 s12, s13;
	v4 =	vadd.s32 v3, v4  }
0x1d5: {  	s24 =	sadd.s32 $0x10, s24;
	[tilespmem:s12+$0x6000] =	vst v4  }
0x1d6: {  	v4 =	vld [tilespmem:s24+$0x0];
	_ =	sdelay $0x4  }
0x1d7: {  	v4 =	vadd.s32 v3, v4  }
0x1d8: {  	s25 =	simm.s32 $0x800;
	s29 =	simm.s32 $0x1400;
	[tilespmem:s12+$0x6080] =	vst v4  }
0x1d9: {  	[tilespmem:s4], [sflag:$0x3] =	stream.indirect.gather [hbm4b:s3+s25], $0x1, s1, s25, $0xb8;
	[tilespmem:$0xC000] =	vst v63  }
0x1da: {  	v4 =	vld [tilespmem:s29+$0x0];
	_ =	sdelay $0x2  }
0x1db: {  	s24 =	simm.s32 $0x400  }
0x1dc: {  	s30 =	sand.u32 $0x70, s24;
	s12 =	sand.u32 $0xF00, s25  }
0x1dd: {  	s13 =	sor.u32 s30, s12;
	v4 =	vadd.s32 v3, v4  }
0x1de: {  	s12 =	simm.s32 $0x3400;
	[tilespmem:s13+$0x6000] =	vst v4  }
0x1df: {  	v4 =	vld [tilespmem:s12+$0x0];
	_ =	sdelay $0x4  }
0x1e0: {  	v4 =	vadd.s32 v3, v4  }
0x1e1: {  	s25 =	simm.s32 $0x1410;
	[tilespmem:s13+$0x6080] =	vst v4  }
0x1e2: {  	s28 =	simm.s32 $0x840;
	s13 =	simm.s32 $0x820;
	v4 =	vld [tilespmem:s25+$0x0]  }
.LBB2_28:
0x1e3: {  	p0 =	sne.s32 s28, $0xFE0;
	_ =	sdelay $0x1  }
0x1e4: {  	s24 =	sadd.s32 $0x10, s24  }
0x1e5: {  	s29 =	sand.u32 $0xF00, s13;
	s13 =	smov.u32 s28;
	s30 =	sand.u32 $0x70, s24  }
0x1e6: {  	s29 =	sor.u32 s30, s29;
	v4 =	vadd.s32 v3, v4  }
0x1e7: {  	s12 =	sadd.s32 $0x10, s12;
	[tilespmem:s29+$0x6000] =	vst v4  }
0x1e8: {  	v4 =	vld [tilespmem:s12+$0x0];
	_ =	sdelay $0x2  }
.Ltmp13:
0x1e9: {  	(pc) =	sbr.rel @p0 .LBB2_28-.Ltmp13, $4  }
0x1ea: {  	_ = 	snop  }
0x1eb: {  	v4 =	vadd.s32 v3, v4  }
0x1ec: {  	s25 =	sadd.s32 $0x10, s25;
	[tilespmem:s29+$0x6080] =	vst v4  }
0x1ed: {  	s28 =	sadd.s32 $0x20, s28;
	v4 =	vld [tilespmem:s25+$0x0]  }
0x1ee: {  	_ =	sdelay $0x1  }
0x1ef: {  	s24 =	sadd.s32 $0x10, s24  }
0x1f0: {  	s13 =	sand.u32 $0xF00, s13;
	s24 =	sand.u32 $0x70, s24  }
0x1f1: {  	s13 =	sor.u32 s24, s13;
	v4 =	vadd.s32 v3, v4  }
0x1f2: {  	s12 =	sadd.s32 $0x10, s12;
	[tilespmem:s13+$0x6000] =	vst v4  }
0x1f3: {  	v4 =	vld [tilespmem:s12+$0x0];
	_ =	sdelay $0x4  }
0x1f4: {  	v4 =	vadd.s32 v3, v4  }
0x1f5: {  	s25 =	simm.s32 $0x1800;
	s12 =	simm.s32 $0x800;
	[tilespmem:s13+$0x6080] =	vst v4  }
0x1f6: {  	[tilespmem:s6], [sflag:$0x3] =	stream.indirect.gather [hbm4b:s3+s12], $0x1, s5, s12, $0xb8;
	[tilespmem:$0xC000] =	vst v63  }
0x1f7: {  	v4 =	vld [tilespmem:s25+$0x0];
	_ =	sdelay $0x2  }
0x1f8: {  	s29 =	simm.s32 $0x1000  }
0x1f9: {  	s30 =	sand.u32 $0x70, s12;
	s13 =	sand.u32 $0x1F00, s29  }
0x1fa: {  	s13 =	sor.u32 s30, s13;
	v4 =	vadd.s32 v3, v4  }
0x1fb: {  	s24 =	simm.s32 $0x3800;
	[tilespmem:s13+$0x6000] =	vst v4  }
0x1fc: {  	v4 =	vld [tilespmem:s24+$0x0];
	_ =	sdelay $0x4  }
0x1fd: {  	v4 =	vadd.s32 v3, v4  }
0x1fe: {  	s25 =	simm.s32 $0x1810;
	[tilespmem:s13+$0x6080] =	vst v4  }
0x1ff: {  	s28 =	simm.s32 $0x1040;
	s13 =	simm.s32 $0x1020;
	v4 =	vld [tilespmem:s25+$0x0]  }
.LBB2_30:
0x200: {  	p0 =	sne.s32 s28, $0x17E0;
	_ =	sdelay $0x1  }
0x201: {  	s12 =	sadd.s32 $0x10, s12  }
0x202: {  	s29 =	sand.u32 $0x1F00, s13;
	s13 =	smov.u32 s28;
	s30 =	sand.u32 $0x70, s12  }
0x203: {  	s29 =	sor.u32 s30, s29;
	v4 =	vadd.s32 v3, v4  }
0x204: {  	s24 =	sadd.s32 $0x10, s24;
	[tilespmem:s29+$0x6000] =	vst v4  }
0x205: {  	v4 =	vld [tilespmem:s24+$0x0];
	_ =	sdelay $0x2  }
.Ltmp14:
0x206: {  	(pc) =	sbr.rel @p0 .LBB2_30-.Ltmp14, $4  }
0x207: {  	_ = 	snop  }
0x208: {  	v4 =	vadd.s32 v3, v4  }
0x209: {  	s25 =	sadd.s32 $0x10, s25;
	[tilespmem:s29+$0x6080] =	vst v4  }
0x20a: {  	s28 =	sadd.s32 $0x20, s28;
	v4 =	vld [tilespmem:s25+$0x0]  }
0x20b: {  	_ =	sdelay $0x1  }
0x20c: {  	s12 =	sadd.s32 $0x10, s12  }
0x20d: {  	s13 =	sand.u32 $0x1F00, s13;
	s12 =	sand.u32 $0x70, s12  }
0x20e: {  	s12 =	sor.u32 s12, s13;
	v4 =	vadd.s32 v3, v4  }
0x20f: {  	s24 =	sadd.s32 $0x10, s24;
	[tilespmem:s12+$0x6000] =	vst v4  }
0x210: {  	v4 =	vld [tilespmem:s24+$0x0];
	_ =	sdelay $0x4  }
0x211: {  	v4 =	vadd.s32 v3, v4  }
0x212: {  	s25 =	simm.s32 $0x1C00;
	[tilespmem:s12+$0x6080] =	vst v4  }
0x213: {  	[tilespmem:s8], [sflag:$0x3] =	stream.indirect.gather [hbm4b:s3+s26], $0x1, s7, s26, $0xb8;
	[tilespmem:$0xC000] =	vst v63  }
0x214: {  	v4 =	vld [tilespmem:s25+$0x0];
	_ =	sdelay $0x2  }
0x215: {  	s29 =	simm.s32 $0x1800;
	s24 =	simm.s32 $0xC00  }
0x216: {  	s30 =	sand.u32 $0x70, s24;
	s12 =	sand.u32 $0x1F00, s29  }
0x217: {  	s13 =	sor.u32 s30, s12;
	v4 =	vadd.s32 v3, v4  }
0x218: {  	s12 =	simm.s32 $0x3C00;
	[tilespmem:s13+$0x6000] =	vst v4  }
0x219: {  	v4 =	vld [tilespmem:s12+$0x0];
	_ =	sdelay $0x4  }
0x21a: {  	v4 =	vadd.s32 v3, v4  }
0x21b: {  	s25 =	simm.s32 $0x1C10;
	[tilespmem:s13+$0x6080] =	vst v4  }
0x21c: {  	s28 =	simm.s32 $0x1840;
	s13 =	simm.s32 $0x1820;
	v4 =	vld [tilespmem:s25+$0x0]  }
.LBB2_32:
0x21d: {  	p0 =	sne.s32 s28, $0x1FE0;
	_ =	sdelay $0x1  }
0x21e: {  	s24 =	sadd.s32 $0x10, s24  }
0x21f: {  	s29 =	sand.u32 $0x1F00, s13;
	s13 =	smov.u32 s28;
	s30 =	sand.u32 $0x70, s24  }
0x220: {  	s29 =	sor.u32 s30, s29;
	v4 =	vadd.s32 v3, v4  }
0x221: {  	s12 =	sadd.s32 $0x10, s12;
	[tilespmem:s29+$0x6000] =	vst v4  }
0x222: {  	v4 =	vld [tilespmem:s12+$0x0];
	_ =	sdelay $0x2  }
.Ltmp15:
0x223: {  	(pc) =	sbr.rel @p0 .LBB2_32-.Ltmp15, $4  }
0x224: {  	_ = 	snop  }
0x225: {  	v4 =	vadd.s32 v3, v4  }
0x226: {  	s25 =	sadd.s32 $0x10, s25;
	[tilespmem:s29+$0x6080] =	vst v4  }
0x227: {  	s28 =	sadd.s32 $0x20, s28;
	v4 =	vld [tilespmem:s25+$0x0]  }
0x228: {  	_ =	sdelay $0x1  }
0x229: {  	s24 =	sadd.s32 $0x10, s24  }
0x22a: {  	s13 =	sand.u32 $0x1F00, s13;
	s24 =	sand.u32 $0x70, s24  }
0x22b: {  	s13 =	sor.u32 s24, s13;
	v4 =	vadd.s32 v3, v4  }
0x22c: {  	s12 =	sadd.s32 $0x10, s12;
	[tilespmem:s13+$0x6000] =	vst v4  }
0x22d: {  	v4 =	vld [tilespmem:s12+$0x0];
	_ =	sdelay $0x4  }
0x22e: {  	v4 =	vadd.s32 v3, v4  }
0x22f: {  	[tilespmem:s13+$0x6080] =	vst v4  }
0x230: {  	[tilespmem:s20], [sflag:$0x3] =	stream.indirect.gather [hbm4b:s3+s26], $0x1, s9, s26, $0xb8;
	[tilespmem:$0xC000] =	vst v63  }
0x231: {  	_ =	swait.ge [sflag:s10], $0x800  }
0x232: {  	[sflag:s10] =	ssyncset.done $0x0  }
0x233: {  	[sflag:s10] =	ssyncadd.s32 $0xFFFFF800  }
0x234: {  	_ =	swait.ge [sflag:s10], $0x800  }
0x235: {  	[sflag:s10] =	ssyncset.done $0x0  }
0x236: {  	[sflag:s10] =	ssyncadd.s32 $0xFFFFF800  }
0x237: {  	_ =	swait.ge [sflag:s10], $0x800  }
0x238: {  	[sflag:s10] =	ssyncset.done $0x0  }
0x239: {  	[sflag:s10] =	ssyncadd.s32 $0xFFFFF800  }
0x23a: {  	_ =	swait.ge [sflag:s10], $0x800  }
0x23b: {  	[sflag:s10] =	ssyncset.done $0x0  }
0x23c: {  	[sflag:s10] =	ssyncadd.s32 $0xFFFFF800  }
0x23d: {  	[hbm4b:s14+s2] =	stream.linear.scatter [tilespmem:s23], [sflag:$0x4], $0x2000, $0x38;
	[tilespmem:$0xC000] =	vst v63  }
0x23e: {  	_ =	swait.ge [sflag:s11], $0x800  }
0x23f: {  	[sflag:s11] =	ssyncset.done $0x0  }
0x240: {  	[sflag:s11] =	ssyncadd.s32 $0xFFFFF800  }
0x241: {  	_ =	swait.ge [sflag:s11], $0x800  }
0x242: {  	[sflag:s11] =	ssyncset.done $0x0  }
0x243: {  	[sflag:s11] =	ssyncadd.s32 $0xFFFFF800  }
0x244: {  	_ =	swait.ge [sflag:s11], $0x800  }
0x245: {  	[sflag:s11] =	ssyncset.done $0x0  }
0x246: {  	[sflag:s11] =	ssyncadd.s32 $0xFFFFF800  }
0x247: {  	_ =	swait.ge [sflag:s11], $0x800  }
0x248: {  	[sflag:s11] =	ssyncset.done $0x0  }
0x249: {  	[sflag:s11] =	ssyncadd.s32 $0xFFFFF800  }
0x24a: {  	s22 =	sadd.s32 $0x1, s22;
	_ =	swait.ge [sflag:s21], $0x2000  }
0x24b: {  	p0 =	sne.s32 s22, s16;
	[sflag:s21] =	ssyncset.done $0x0  }
.Ltmp16:
0x24c: {  	[sflag:s21] =	ssyncadd.s32 $0xFFFFE000;
	(pc) =	sbr.rel @p0 .LBB2_1-.Ltmp16, $4  }
0x24d: {  	[hbm4b:s15+s2] =	stream.linear.scatter [tilespmem:s4], [sflag:$0x4], $0x2000, $0x38;
	[tilespmem:$0xC000] =	vst v63  }
0x24e: {  	_ =	swait.ge [sflag:s21], $0x2000  }
0x24f: {  	[sflag:s21] =	ssyncset.done $0x0  }
0x250: {  	[sflag:s21] =	ssyncadd.s32 $0xFFFFE000  }
0x251: {  	_ =	sfence.sel $0x180000  }
0x252: {  	[bflag:$0x0] =	sbarrier.arrive $0xFFFF  }
0x253: {  	_ =	strace $0x9000004A  }
0x254: {  	s0 =	stileid.u32;
	[bflag:$0x2] =	sbarrier.arrive $0xFFFF  }
0x255: {  	p0 =	sne.s32 s0, $0x0;
	s0 =	rddreg [dreg:$0x4]  }
0x256: {  	s0 =	sadd.s32 @!p0 $0x100000, s0  }
0x257: {  	[sflag:s0] =	ssyncadd.tile.s32 @!p0 $0x1;
	_ =	shalt  }
.Lfunc_end2:
_tile_overlayer_lowered:
.L_overlay_start_2:
0x258: {  	(tag) =	ssettag $0x2  }
0x259: {  	s0 =	rddreg [dreg:$0x0];
	s2 =	stileid.u32  }
0x25a: {  	s1 =	rddreg [dreg:$0x1];
	p0 =	sne.s32 s2, $0x0  }
0x25b: {  	s3 =	rddreg [dreg:$0x2];
	[bflag:$0x3] =	sbarrier.arrive $0xFFFF;
	s2 =	simm.s32 @!p0 $0x1C05  }
0x25c: {  	[timem:s3], [sflag:s2] =	dma.local @!p0 [hbm:s0], s1  }
0x25d: {  	s0 =	simm.s32 @!p0 $0x5  }
0x25e: {  	_ =	swait.ge @!p0 [sflag:s0], s1  }
0x25f: {  	s1 =	ssub.s32 @!p0 $0x0, s1;
	[sflag:s0] =	ssyncset.done @!p0 $0x0  }
0x260: {  	[sflag:s0] =	ssyncadd.s32 @!p0 s1  }
0x261: {  	[bflag:$0x3] =	sbarrier.arrive $0xFFFF  }
0x262: {  	_ =	shalt  }

// kernel: sparse-core-data-format-call.cloned.1.call-start
scs
called_computation_lowered:
.L_overlay_start_0:
0x0: {  	s2 =	sld [smem:$0x3FD9]  }
0x1: {  	s3 =	sld [smem:$0x3FFE];
	_ =	sdelay $0x1  }
0x2: {  	s1 =	srdreg.scid  }
0x3: {  	s0 =	sand.u32 $0x1, s1  }
0x4: {  	s18 =	sshll.u32 s0, $0xA;
	s2 =	sadd.s32 s3, s2  }
0x5: {  	s2 =	sadd.s32 s2, s18  }
0x6: {  	[smem:$0x3FC5] =	sst s2  }
0x7: {  	_ = 	snop  }
0x8: {  	s2 =	sld [smem:$0x3FC9];
	(tm) =	ssettm $0x1  }
0x9: {  	s19 =	sld [smem:$0x3FFB];
	_ =	sdelay $0x3  }
0xa: {  	_ =	strace s19  }
0xb: {  	s3 =	sld [smem:$0x3FFC];
	_ =	sdelay $0x3  }
0xc: {  	_ =	strace s3  }
0xd: {  	s3 =	sld [smem:$0x3FFD];
	_ =	sdelay $0x3  }
0xe: {  	_ =	strace s3  }
0xf: {  	_ =	strace $0x8FFFFFFF  }
0x10: {  	s20 =	sld [smem:$0x3FDB];
	_ =	sdelay $0x1  }
0x11: {  	s4 =	simm.s32 $_scs_section_size  }
0x12: {  	s5 =	simm.s32 $_size__tile_overlayer_lowered;
	s6 =	simm.s32 $_tile_overlayer_lowered  }
0x13: {  	s23 =	simm.s32 $0x1BFF;
	s22 =	sshll.u32 s6, $0x1;
	s3 =	sadd.s32 s4, s20  }
0x14: {  	s7 =	simm.s32 $0x0;
	s21 =	sshll.u32 s5, $0x1;
	s5 =	sadd.s32 s22, s3  }
0x15: {  	[timem:s7], [sflag:s23] =	dma.local [hbm:s5], s21  }
0x16: {  	_ =	swait.ge [sflag:s23], s21  }
0x17: {  	s4 =	ssub.s32 $0x0, s21;
	[sflag:s23] =	ssyncset.done $0x0  }
0x18: {  	[sflag:s23] =	ssyncadd.s32 s4;
	_ =	sdelay $0x1  }
0x19: {  	s24 =	simm.s32 $0x1B8B  }
0x1a: {  	_ =	swait.ge [sflag:s24], $0x1  }
0x1b: {  	[sflag:s24] =	ssyncset.done $0x0  }
0x1c: {  	s26 =	simm.s32 $0x1B8E;
	s25 =	sld [smem:$0x3FFE];
	[sflag:s24] =	ssyncadd.s32 $0xFFFFFFFF  }
0x1d: {  	s27 =	simm.s32 $execute0_lowered;
	[smem:$0x3FD2] =	sst s26  }
0x1e: {  	s5 =	sshll.u32 s27, $0x1;
	_ =	strace $0x80000046;
	[dreg:$0x1] =	wrdreg $0xFFFFFFFF  }
0x1f: {  	s28 =	simm.s32 $_size_execute0_lowered;
	s3 =	sadd.s32 s3, s5;
	[dreg:$0x0] =	wrdreg $0x0  }
0x20: {  	s5 =	sshll.u32 s28, $0x1;
	[dreg:$0x2] =	wrdreg s3  }
0x21: {  	[dreg:$0x3] =	wrdreg s5  }
0x22: {  	[dreg:$0x4] =	wrdreg $0xC0  }
0x23: {  	_ =	task [dreg:s7], $0x5FFFF  }
0x24: {  	[dreg:$0x1] =	wrdreg $0xFFFFFFFF  }
0x25: {  	[dreg:$0x0] =	wrdreg $0x60  }
0x26: {  	[dreg:$0x2] =	wrdreg s2  }
0x27: {  	[dreg:$0x3] =	wrdreg s25  }
0x28: {  	[dreg:$0x4] =	wrdreg $0x9  }
0x29: {  	_ =	task.clear_ibuf [dreg:s7], $0x5FFFF;
	_ =	strace $0x90000046  }
0x2a: {  	s29 =	simm.s32 $0x9;
	_ =	strace $0x80000048  }
0x2b: {  	_ =	swait.ge [sflag:s29], $0x1  }
0x2c: {  	[sflag:s29] =	ssyncadd.s32 $0xFFFFFFFF  }
0x2d: {  	_ =	strace $0x90000048  }
0x2e: {  	_ =	sfence  }
0x2f: {  	s30 =	sld [smem:$0x0];
	_ =	sdelay $0x2  }
0x30: {  	s31 =	sshll.u32 s1, $0xD;
	s1 =	sshrl.u32 s1, $0x2  }
0x31: {  	s3 =	sand.u32 $0x4000, s31;
	s1 =	sadd.s32 s1, s30  }
0x32: {  	s0 =	sor.u32 s3, s0;
	s1 =	sshll.u32 s1, $0x11  }
0x33: {  	s0 =	sor.u32 s1, s0  }
0x34: {  	s0 =	sadd.s32 $0x8F2B, s0  }
0x35: {  	[sflag:s0] =	ssyncadd.remote.s32 $0x1  }
0x36: {  	_ =	sfence.sel $0xFFFF  }
0x37: {  	[dreg:$0x0] =	wrdreg $0xFFFFFFFF;
	(pc) =	sbr.abs _section_cstart, $3  }
0x38: {  	[dreg:$0x1] =	wrdreg $0xFFFFFFFF  }
0x39: {  	_ =	task.clear_ibuf [dreg:s7], $0x2FFFF;
	_ =	strace $0x9FFFFFFF  }
0x3a: {  	(tm) =	ssettm $0x7FFFFFFF  }
0x3b: {  	_ =	shalt  }
tec
execute0_lowered:
.L_overlay_start_1:
0x0: {  	(tag) =	ssettag $0x1  }
0x1: {  	s0 =	srdreg.scid  }
0x2: {  	s1 =	sshll.u32 s0, $0x4  }
0x3: {  	s2 =	rddreg [dreg:$0x0];
	s0 =	stileid.u32;
	s1 =	sand.u32 $0x10, s1  }
0x4: {  	s4 =	rddreg [dreg:$0x1];
	s7 =	simm.s32 $0x1;
	s1 =	sor.u32 s0, s1  }
0x5: {  	s8 =	simm.s32 $0x2;
	s9 =	simm.s32 $0x0;
	s3 =	sshll.u32 s1, $0x2  }
0x6: {  	s12 =	simm.s32 $0x0;
	s11 =	simm.s32 $0x0;
	s6 =	ssub.s32 $0x1000, s3  }
.Ltmp0:
0x7: {  	s4 =	sadd.s32 $0x800, s4;
	s5 =	sand.u32 $0x7C, s6;
	(pc) =	sbr.rel .LBB1_1-.Ltmp0, $4  }
0x8: {  	s1 =	rddreg [dreg:$0x2];
	_ =	strace $0x80000047;
	p0 =	sne.s32 s5, $0x0  }
0x9: {  	s6 =	sshrl.u32 s6, $0x7;
	s5 =	simm.s32 $0x1;
	s7 =	simm.s32 @!p0 $0x0  }
0xa: {  	s10 =	smov.u32 s3;
	[sflag:s5] =	ssyncpa.u1 $0x0;
	s6 =	sadd.s32 s7, s6  }
0xb: {  	[sflag:s8] =	ssyncpa.u1 $0x0;
	s8 =	simm.s32 $0x0;
	s7 =	sadd.s32 $0x1, s6  }
.LBB1_9:
0xc: {  	s14 =	sadd.s32 $0x80, s10  }
0xd: {  	p1 =	sgt.s32 s14, $0xFFF  }
0xe: {  	s14 =	smov.u32 @p1 s3;
	p1 =	sne.s32 s11, s7  }
.Ltmp1:
0xf: {  	p0 =	slt.u32 s11, $0x2;
	(pc) =	sbr.rel @!p1 .LBB1_10-.Ltmp1, $4  }
0x10: {  	s13 =	simm.s32 @!p0 $0x2  }
0x11: {  	s15 =	sadd.s32 $0x1, s11;
	_ =	swait.ge @!p0 [sflag:s13], $0x4000  }
0x12: {  	s12 =	smov.u32 s10;
	s9 =	sadd.s32 $0x4000, s9;
	[sflag:s13] =	ssyncset.done @!p0 $0x0  }
0x13: {  	s11 =	smov.u32 s15;
	s10 =	smov.u32 s14;
	[sflag:s13] =	ssyncadd.s32 @!p0 $0xFFFFC000  }
.LBB1_1:
0x14: {  	p0 =	sge.u32 s11, s6  }
0x15: {  	s13 =	sxor.u32 @!p0 $0xFFFFFFFF, s11  }
0x16: {  	s31 =	sadd.s32 $0xFFFFFFFF, s11;
	s14 =	sshll.u32 @!p0 s10, $0x9;
	s13 =	sshll.u32 @!p0 s13, $0xE  }
0x17: {  	s15 =	simm.s32 @!p0 $0x0;
	s14 =	sadd.s32 @!p0 s2, s14;
	s13 =	sand.u32 @!p0 $0x4000, s13  }
0x18: {  	[tilespmem:s13], [sflag:$0x1] =	stream.linear.gather @!p0 [hbm4b:s14+s15], $0x4000, $0x38;
	[tilespmem:$0x10000] =	vst v63  }
0x19: {  	p0 =	sge.u32 s31, s6  }
.Ltmp2:
0x1a: {  	_ = 	snop;
	(pc) =	sbr.rel @p0 .LBB1_9-.Ltmp2, $1  }
0x1b: {  	_ =	sdelay $0x3  }
0x1c: {  	s14 =	sand.u32 $0x4000, s9  }
0x1d: {  	_ =	swait.ge [sflag:s5], $0x4000;
	s15 =	sshll.u32 s11, $0xE;
	s16 =	simm.s32 $0x0  }
0x1e: {  	s13 =	sor.u32 $0x40, s14;
	[sflag:s5] =	ssyncset.done $0x0;
	s15 =	sand.u32 $0x4000, s15  }
0x1f: {  	s14 =	sor.u32 $0x8040, s14;
	[sflag:s5] =	ssyncadd.s32 $0xFFFFC000;
	s15 =	sor.u32 $0x8000, s15  }
.LBB1_3:
0x20: {  	s17 =	smov.u32 s14;
	s18 =	smov.u32 s13;
	s19 =	simm.s32 $0x0  }
.LBB1_4:
0x21: {  	v0 =	vmov s17;
	v2 =	vld [tilespmem:s18+$0x30]  }
0x22: {  	v4 =	vld [tilespmem:s18+$0xFFFFFFD0]  }
0x23: {  	v6 =	vld [tilespmem:s18+$0xFFFFFFE0]  }
0x24: {  	v7 =	vld [tilespmem:s18+$0xFFFFFFF0]  }
0x25: {  	s20 =	simm.s32 $0x0;
	v1 =	vld [tilespmem:s18+$0x0]  }
0x26: {  	v3 =	vld [tilespmem:s18+$0x10];
	[tilespmem:v0+s20+$0x30 ss:$0x1] =	vst.idx.msk $0xffff, v2  }
0x27: {  	v5 =	vld [tilespmem:s18+$0x20];
	[tilespmem:v0+s20+$0xFFFFFFD0 ss:$0x1] =	vst.idx.msk $0xffff, v4  }
0x28: {  	s21 =	sadd.s32 $0x80, s18;
	v2 =	vld [tilespmem:s18+$0xFFFFFFC0];
	[tilespmem:v0+s20+$0xFFFFFFE0 ss:$0x1] =	vst.idx.msk $0xffff, v6  }
0x29: {  	s22 =	simm.s32 $0x800;
	s23 =	simm.s32 $0x1000;
	v4 =	vld [tilespmem:s21+$0x30];
	[tilespmem:v0+s20+$0xFFFFFFF0 ss:$0x1] =	vst.idx.msk $0xffff, v7  }
.LBB1_5:
0x2a: {  	p0 =	sne.s32 s23, $0x3800;
	v6 =	vld [tilespmem:s21+$0xFFFFFFD0];
	[tilespmem:v0+s20+$0x0 ss:$0x1] =	vst.idx.msk $0xffff, v1  }
0x2b: {  	v7 =	vld [tilespmem:s21+$0xFFFFFFE0];
	[tilespmem:v0+s20+$0x10 ss:$0x1] =	vst.idx.msk $0xffff, v3  }
0x2c: {  	v8 =	vld [tilespmem:s21+$0xFFFFFFF0];
	[tilespmem:v0+s20+$0x20 ss:$0x1] =	vst.idx.msk $0xffff, v5  }
.Ltmp3:
0x2d: {  	v1 =	vld [tilespmem:s21+$0x0];
	[tilespmem:v0+s20+$0xFFFFFFC0 ss:$0x1] =	vst.idx.msk $0xffff, v2;
	s20 =	sshra.s32 s22, $0x2;
	s22 =	smov.u32 s23;
	(pc) =	sbr.rel @p0 .LBB1_5-.Ltmp3, $4  }
0x2e: {  	v3 =	vld [tilespmem:s21+$0x10];
	[tilespmem:v0+s20+$0x30 ss:$0x1] =	vst.idx.msk $0xffff, v4  }
0x2f: {  	[tilespmem:v0+s20+$0xFFFFFFD0 ss:$0x1] =	vst.idx.msk $0xffff, v6;
	v5 =	vld [tilespmem:s21+$0x20]  }
0x30: {  	v2 =	vld [tilespmem:s21+$0xFFFFFFC0];
	[tilespmem:v0+s20+$0xFFFFFFE0 ss:$0x1] =	vst.idx.msk $0xffff, v7;
	s21 =	sadd.s32 $0x80, s21  }
0x31: {  	s23 =	sadd.s32 $0x800, s23;
	v4 =	vld [tilespmem:s21+$0x30];
	[tilespmem:v0+s20+$0xFFFFFFF0 ss:$0x1] =	vst.idx.msk $0xffff, v8  }
0x32: {  	_ =	sdelay $0x3  }
0x33: {  	v6 =	vld [tilespmem:s21+$0xFFFFFFD0];
	[tilespmem:v0+s20+$0x0 ss:$0x1] =	vst.idx.msk $0xffff, v1  }
0x34: {  	v58 =	vld [tilespmem:s21+$0xFFFFFFE0];
	[tilespmem:v0+s20+$0x10 ss:$0x1] =	vst.idx.msk $0xffff, v3  }
0x35: {  	v59 =	vld [tilespmem:s21+$0xFFFFFFF0];
	[tilespmem:v0+s20+$0x20 ss:$0x1] =	vst.idx.msk $0xffff, v5  }
0x36: {  	s22 =	sshra.s32 s22, $0x2;
	v60 =	vld [tilespmem:s21+$0x0];
	[tilespmem:v0+s20+$0xFFFFFFC0 ss:$0x1] =	vst.idx.msk $0xffff, v2  }
0x37: {  	v61 =	vld [tilespmem:s21+$0x10];
	[tilespmem:v0+s22+$0x30 ss:$0x1] =	vst.idx.msk $0xffff, v4  }
0x38: {  	v62 =	vld [tilespmem:s21+$0x20];
	s19 =	sadd.s32 $0x1, s19;
	[tilespmem:v0+s22+$0xFFFFFFD0 ss:$0x1] =	vst.idx.msk $0xffff, v6  }
0x39: {  	v63 =	vld [tilespmem:s21+$0xFFFFFFC0];
	p0 =	sne.s32 s19, $0x4;
	[tilespmem:v0+s22+$0xFFFFFFE0 ss:$0x1] =	vst.idx.msk $0xffff, v58  }
.Ltmp4:
0x3a: {  	[tilespmem:v0+s22+$0xFFFFFFF0 ss:$0x1] =	vst.idx.msk $0xffff, v59;
	(pc) =	sbr.rel @p0 .LBB1_4-.Ltmp4, $4  }
0x3b: {  	[tilespmem:v0+s22+$0x0 ss:$0x1] =	vst.idx.msk $0xffff, v60  }
0x3c: {  	[tilespmem:v0+s22+$0x10 ss:$0x1] =	vst.idx.msk $0xffff, v61  }
0x3d: {  	[tilespmem:v0+s22+$0x20 ss:$0x1] =	vst.idx.msk $0xffff, v62  }
0x3e: {  	s18 =	sadd.s32 $0x400, s18;
	s17 =	sadd.s32 $0x80, s17;
	[tilespmem:v0+s22+$0xFFFFFFC0 ss:$0x1] =	vst.idx.msk $0xffff, v63  }
0x3f: {  	s16 =	sadd.s32 $0x1, s16  }
0x40: {  	p0 =	sne.s32 s16, $0x4  }
.Ltmp5:
0x41: {  	_ = 	snop;
	(pc) =	sbr.rel @p0 .LBB1_3-.Ltmp5, $2  }
0x42: {  	_ =	sdelay $0x2  }
0x43: {  	s13 =	sadd.s32 $0x1000, s13;
	s14 =	sadd.s32 $0x1000, s14  }
.Ltmp6:
0x44: {  	(pc) =	sbr.rel .LBB1_9-.Ltmp6, $4  }
0x45: {  	_ = 	snop  }
0x46: {  	s12 =	sshll.u32 s12, $0x9  }
0x47: {  	s12 =	sadd.s32 s4, s12  }
0x48: {  	[hbm4b:s12+s8] =	stream.linear.scatter [tilespmem:s15], [sflag:$0x2], $0x4000, $0x38;
	[tilespmem:$0x10000] =	vst v63  }
.LBB1_10:
0x49: {  	_ =	sfence.sel $0x180000  }
0x4a: {  	s2 =	simm.s32 $0x1;
	[bflag:$0x0] =	sbarrier.arrive $0xFFFF  }
0x4b: {  	s31 =	simm.s32 $0x2;
	[sflag:s2] =	ssyncpa.u1 $0x1  }
0x4c: {  	[sflag:s31] =	ssyncpa.u1 $0x1  }
0x4d: {  	p0 =	sne.s32 s0, $0x0;
	_ =	strace $0x90000047  }
0x4e: {  	s0 =	sadd.s32 @!p0 $0x100000, s1;
	[bflag:$0x2] =	sbarrier.arrive $0xFFFF  }
0x4f: {  	[sflag:s0] =	ssyncadd.tile.s32 @!p0 $0x1;
	_ =	shalt  }
.Lfunc_end1:
_tile_overlayer_lowered:
.L_overlay_start_2:
0x50: {  	(tag) =	ssettag $0x2  }
0x51: {  	s0 =	rddreg [dreg:$0x0];
	s2 =	stileid.u32  }
0x52: {  	s1 =	rddreg [dreg:$0x1];
	p0 =	sne.s32 s2, $0x0  }
0x53: {  	s3 =	rddreg [dreg:$0x2];
	[bflag:$0x3] =	sbarrier.arrive $0xFFFF;
	s2 =	simm.s32 @!p0 $0x1C01  }
0x54: {  	[timem:s3], [sflag:s2] =	dma.local @!p0 [hbm:s0], s1  }
0x55: {  	s0 =	simm.s32 @!p0 $0x1  }
0x56: {  	_ =	swait.ge @!p0 [sflag:s0], s1  }
0x57: {  	s1 =	ssub.s32 @!p0 $0x0, s1;
	[sflag:s0] =	ssyncset.done @!p0 $0x0  }
0x58: {  	[sflag:s0] =	ssyncadd.s32 @!p0 s1  }
0x59: {  	[bflag:$0x3] =	sbarrier.arrive $0xFFFF  }
0x5a: {  	_ =	shalt  }

</sc_bundles>
